<compile_context>
chip_gen: v7x
topology: tpu7x:2x2x1
jax: 0.10.2.dev20260603
libtpu: 0.0.44.dev20260713+nightly
codegen_flags: <defaults>
</compile_context>

<pallas_src>
import functools

import jax
import jax.numpy as jnp
from jax import lax
from jax.experimental import pallas as pl
from jax.experimental.pallas import tpu as pltpu
from jax.experimental.pallas import tpu_sc as plsc

DIM = 64
NC = 2
NS = 16
NW = NC * NS
NB = 4


@functools.lru_cache(maxsize=None)
def _make_lookup(B, L, n_rows):
  n_chunks = B // NW
  assert n_chunks % NB == 0
  n_groups = n_chunks // NB
  mesh = plsc.VectorSubcoreMesh(core_axis_name="c", subcore_axis_name="s")

  @functools.partial(
      pl.kernel,
      mesh=mesh,
      compiler_params=pltpu.CompilerParams(use_tc_tiling_on_sc=False),
      out_type=jax.ShapeDtypeStruct((B, L, DIM), jnp.float32),
      scratch_types=[
          pltpu.VMEM((n_chunks, L), jnp.int32),
          pltpu.VMEM((n_chunks, L), jnp.int32),
          pltpu.VMEM((NB, L, DIM), jnp.float32),
          pltpu.VMEM_SHARED((n_rows, DIM), jnp.float32),
          pltpu.VMEM_SHARED((n_rows, DIM), jnp.float32),
      ] + [pltpu.SemaphoreType.DMA] * NB,
  )
  def lookup(t_tab, s_tab, t_idx, s_idx, out, tiv, siv, bufs, t_sh, s_sh,
             *sems):
    sid = lax.axis_index("s")
    wid = sid * NC + lax.axis_index("c")

    @pl.when(sid == 0)
    def _():
      pltpu.sync_copy(t_tab, t_sh)
      pltpu.sync_copy(s_tab, s_sh)

    pltpu.sync_copy(t_idx.at[wid], tiv)
    pltpu.sync_copy(s_idx.at[wid], siv)
    plsc.subcore_barrier()

    def fire_t(c, b):
      pltpu.async_copy(t_sh.at[tiv.at[c]], bufs.at[b], sems[b])

    def wait_t(c, b):
      pltpu.make_async_copy(t_sh.at[tiv.at[c]], bufs.at[b], sems[b]).wait()

    def fire_s(c, b):
      pltpu.async_copy(s_sh.at[siv.at[c]], bufs.at[b], sems[b], add=True)

    def wait_s(c, b):
      pltpu.make_async_copy(s_sh.at[siv.at[c]], bufs.at[b], sems[b]).wait()

    def fire_out(c, b):
      pltpu.async_copy(bufs.at[b], out.at[wid * n_chunks + c], sems[b])

    def wait_out(c, b):
      pltpu.make_async_copy(bufs.at[b], out.at[wid * n_chunks + c],
                            sems[b]).wait()

    for b in range(NB):
      fire_t(b, b)

    def group_body(g, carry):
      base = g * NB
      for b in range(NB):
        wait_t(base + b, b)
        fire_s(base + b, b)
      for b in range(NB):
        wait_s(base + b, b)
        fire_out(base + b, b)
      for b in range(NB):
        wait_out(base + b, b)

        @pl.when(g < n_groups - 1)
        def _():
          fire_t(base + NB + b, b)

      return carry

    lax.fori_loop(0, n_groups, group_body, 0)

  return lookup


def kernel(times, spaces, time_emb, space_emb):
  B, L = times.shape
  assert B % NW == 0
  n_chunks = B // NW
  t_idx = times.reshape(NW, n_chunks, L).astype(jnp.int32)
  s_idx = spaces.reshape(NW, n_chunks, L).astype(jnp.int32)
  return _make_lookup(B, L, time_emb.shape[0])(time_emb, space_emb, t_idx,
                                               s_idx)

# --- scband reference (transcript-rebuilt; emitter-appended) ---
"""Pipeline reference for scband-positional-encoding-7627861917857 (READ-ONLY COPY).

The authoritative reference and input builder live on the scoring server;
editing this copy changes nothing except your own understanding.
"""

import jax, jax.numpy as jnp
import numpy as np

DIM = 64
MAX_TIME = 2048
MAX_SPACE = 2048
B, L = 4096, 200

def setup_inputs(seed: int = 0) -> dict:
    key = jax.random.key(seed)
    k1, k2, k3, k4 = jax.random.split(key, 4)
    times = jax.random.randint(k1, (B, L), 0, MAX_TIME, dtype=jnp.int64 if jax.config.read('jax_enable_x64') else jnp.int32)
    spaces = jax.random.randint(k2, (B, L), 0, MAX_SPACE, dtype=jnp.int64 if jax.config.read('jax_enable_x64') else jnp.int32)
    # allow_embed_padding=True: tables have one extra row (padding_idx = last row, zeroed)
    time_emb = jax.random.normal(k3, (MAX_TIME + 1, DIM), dtype=jnp.float32)
    time_emb = time_emb.at[MAX_TIME].set(0.0)
    space_emb = jax.random.normal(k4, (MAX_SPACE + 1, DIM), dtype=jnp.float32)
    space_emb = space_emb.at[MAX_SPACE].set(0.0)
    return {"times": times, "spaces": spaces, "time_emb": time_emb, "space_emb": space_emb}

def reference(times, spaces, time_emb, space_emb):
    # self.time_emb(times) + self.space_emb(spaces)
    t = jnp.take(time_emb, times, axis=0)
    s = jnp.take(space_emb, spaces, axis=0)
    return t + s

if __name__ == "__main__":
    import jax
    _d = setup_inputs()
    print(jax.jit(kernel)(*tuple(_d.values())))

</pallas_src>

<mosaic_0001>
#map = affine_map<(d0, d1) -> (0, 0)>
#map1 = affine_map<(d0, d1) -> (0, 0, 0)>
module attributes {stable_mosaic.version = 14 : i64} {
  func.func @lookup(%arg0: i32, %arg1: i32, %arg2: memref<2049x64xf32, #tpu.memory_space<hbm>>, %arg3: memref<2049x64xf32, #tpu.memory_space<hbm>>, %arg4: memref<32x128x200xi32, #tpu.memory_space<hbm>>, %arg5: memref<32x128x200xi32, #tpu.memory_space<hbm>>, %arg6: memref<4096x200x64xf32, #tpu.memory_space<hbm>>, %arg7: memref<128x200xi32, #tpu.memory_space<vmem>>, %arg8: memref<128x200xi32, #tpu.memory_space<vmem>>, %arg9: memref<4x200x64xf32, #tpu.memory_space<vmem>>, %arg10: memref<2049x64xf32, #tpu.memory_space<vmem_shared>>, %arg11: memref<2049x64xf32, #tpu.memory_space<vmem_shared>>, %arg12: memref<!tpu.dma_semaphore, #tpu.memory_space<semaphore_mem>>, %arg13: memref<!tpu.dma_semaphore, #tpu.memory_space<semaphore_mem>>, %arg14: memref<!tpu.dma_semaphore, #tpu.memory_space<semaphore_mem>>, %arg15: memref<!tpu.dma_semaphore, #tpu.memory_space<semaphore_mem>>) attributes {dimension_semantics = [#tpu.dimension_semantics<core_parallel>, #tpu.dimension_semantics<subcore_parallel>], iteration_bounds = array<i64: 2, 16>, scalar_prefetch = 0 : i64, scratch_operands = 9 : i64, tpu.core_type = #tpu.core_type<sc_vector_subcore>, window_params = [{transform_indices = #map}, {transform_indices = #map}, {transform_indices = #map1}, {transform_indices = #map1}, {transform_indices = #map1}]} {
    %mul3A = arith.constant 2 : i32
    %mul3A_0 = arith.muli %arg1, %mul3A : i32
    %add3A = arith.addi %mul3A_0, %arg0 : i32
    %eq3A = arith.constant 0 : i32
    %eq3A_1 = arith.cmpi eq, %arg1, %eq3A : i32
    %convert_element_type3A = arith.extui %eq3A_1 : i1 to i32
    %cond3A = arith.constant 0 : i32
    %cond3A_2 = arith.cmpi ne, %convert_element_type3A, %cond3A : i32
    scf.if %cond3A_2 {
      "tpu.region"() ({
        %run_scoped3A = tpu.sem_alloc : memref<!tpu.dma_semaphore, #tpu.memory_space<semaphore_mem>>
        tpu.enqueue_dma source(%arg2 : memref<2049x64xf32, #tpu.memory_space<hbm>>) target(%arg10 : memref<2049x64xf32, #tpu.memory_space<vmem_shared>>) target_semaphore(%run_scoped3A : memref<!tpu.dma_semaphore, #tpu.memory_space<semaphore_mem>>)
        tpu.wait_dma2 semaphore(%run_scoped3A : memref<!tpu.dma_semaphore, #tpu.memory_space<semaphore_mem>>) src(%arg2 : memref<2049x64xf32, #tpu.memory_space<hbm>>) dst(%arg10 : memref<2049x64xf32, #tpu.memory_space<vmem_shared>>)
        tpu.yield
      }) : () -> ()
      "tpu.region"() ({
        %run_scoped3A = tpu.sem_alloc : memref<!tpu.dma_semaphore, #tpu.memory_space<semaphore_mem>>
        tpu.enqueue_dma source(%arg3 : memref<2049x64xf32, #tpu.memory_space<hbm>>) target(%arg11 : memref<2049x64xf32, #tpu.memory_space<vmem_shared>>) target_semaphore(%run_scoped3A : memref<!tpu.dma_semaphore, #tpu.memory_space<semaphore_mem>>)
        tpu.wait_dma2 semaphore(%run_scoped3A : memref<!tpu.dma_semaphore, #tpu.memory_space<semaphore_mem>>) src(%arg3 : memref<2049x64xf32, #tpu.memory_space<hbm>>) dst(%arg11 : memref<2049x64xf32, #tpu.memory_space<vmem_shared>>)
        tpu.yield
      }) : () -> ()
    } else {
    }
    "tpu.region"() ({
      %run_scoped3A = tpu.sem_alloc : memref<!tpu.dma_semaphore, #tpu.memory_space<semaphore_mem>>
      %dma_start3A_55 = arith.constant 0 : i32
      %dma_start3A_56 = arith.constant 0 : i32
      %dma_start3A_57 = tpu.memref_slice %arg4[%add3A, %dma_start3A_55, %dma_start3A_56] : memref<32x128x200xi32, #tpu.memory_space<hbm>> -> memref<1x128x200xi32, #tpu.memory_space<hbm>>
      %dma_start3A_58 = tpu.memref_squeeze %dma_start3A_57 : memref<1x128x200xi32, #tpu.memory_space<hbm>> -> memref<128x200xi32, #tpu.memory_space<hbm>>
      %dma_start3A_59 = arith.constant 0 : i32
      %dma_start3A_60 = arith.constant 0 : i32
      %dma_start3A_61 = tpu.memref_slice %arg4[%add3A, %dma_start3A_59, %dma_start3A_60] : memref<32x128x200xi32, #tpu.memory_space<hbm>> -> memref<1x128x200xi32, #tpu.memory_space<hbm>>
      %dma_start3A_62 = tpu.memref_squeeze %dma_start3A_61 : memref<1x128x200xi32, #tpu.memory_space<hbm>> -> memref<128x200xi32, #tpu.memory_space<hbm>>
      tpu.enqueue_dma source(%dma_start3A_62 : memref<128x200xi32, #tpu.memory_space<hbm>>) target(%arg7 : memref<128x200xi32, #tpu.memory_space<vmem>>) target_semaphore(%run_scoped3A : memref<!tpu.dma_semaphore, #tpu.memory_space<semaphore_mem>>)
      %dma_wait3A = arith.constant 0 : i32
      %dma_wait3A_63 = arith.constant 0 : i32
      %dma_wait3A_64 = tpu.memref_slice %arg4[%add3A, %dma_wait3A, %dma_wait3A_63] : memref<32x128x200xi32, #tpu.memory_space<hbm>> -> memref<1x128x200xi32, #tpu.memory_space<hbm>>
      %dma_wait3A_65 = tpu.memref_squeeze %dma_wait3A_64 : memref<1x128x200xi32, #tpu.memory_space<hbm>> -> memref<128x200xi32, #tpu.memory_space<hbm>>
      %dma_wait3A_66 = arith.constant 0 : i32
      %dma_wait3A_67 = arith.constant 0 : i32
      %dma_wait3A_68 = tpu.memref_slice %arg4[%add3A, %dma_wait3A_66, %dma_wait3A_67] : memref<32x128x200xi32, #tpu.memory_space<hbm>> -> memref<1x128x200xi32, #tpu.memory_space<hbm>>
      %dma_wait3A_69 = tpu.memref_squeeze %dma_wait3A_68 : memref<1x128x200xi32, #tpu.memory_space<hbm>> -> memref<128x200xi32, #tpu.memory_space<hbm>>
      tpu.wait_dma2 semaphore(%run_scoped3A : memref<!tpu.dma_semaphore, #tpu.memory_space<semaphore_mem>>) src(%dma_wait3A_69 : memref<128x200xi32, #tpu.memory_space<hbm>>) dst(%arg7 : memref<128x200xi32, #tpu.memory_space<vmem>>)
      tpu.yield
    }) : () -> ()
    "tpu.region"() ({
      %run_scoped3A = tpu.sem_alloc : memref<!tpu.dma_semaphore, #tpu.memory_space<semaphore_mem>>
      %dma_start3A_55 = arith.constant 0 : i32
      %dma_start3A_56 = arith.constant 0 : i32
      %dma_start3A_57 = tpu.memref_slice %arg5[%add3A, %dma_start3A_55, %dma_start3A_56] : memref<32x128x200xi32, #tpu.memory_space<hbm>> -> memref<1x128x200xi32, #tpu.memory_space<hbm>>
      %dma_start3A_58 = tpu.memref_squeeze %dma_start3A_57 : memref<1x128x200xi32, #tpu.memory_space<hbm>> -> memref<128x200xi32, #tpu.memory_space<hbm>>
      %dma_start3A_59 = arith.constant 0 : i32
      %dma_start3A_60 = arith.constant 0 : i32
      %dma_start3A_61 = tpu.memref_slice %arg5[%add3A, %dma_start3A_59, %dma_start3A_60] : memref<32x128x200xi32, #tpu.memory_space<hbm>> -> memref<1x128x200xi32, #tpu.memory_space<hbm>>
      %dma_start3A_62 = tpu.memref_squeeze %dma_start3A_61 : memref<1x128x200xi32, #tpu.memory_space<hbm>> -> memref<128x200xi32, #tpu.memory_space<hbm>>
      tpu.enqueue_dma source(%dma_start3A_62 : memref<128x200xi32, #tpu.memory_space<hbm>>) target(%arg8 : memref<128x200xi32, #tpu.memory_space<vmem>>) target_semaphore(%run_scoped3A : memref<!tpu.dma_semaphore, #tpu.memory_space<semaphore_mem>>)
      %dma_wait3A = arith.constant 0 : i32
      %dma_wait3A_63 = arith.constant 0 : i32
      %dma_wait3A_64 = tpu.memref_slice %arg5[%add3A, %dma_wait3A, %dma_wait3A_63] : memref<32x128x200xi32, #tpu.memory_space<hbm>> -> memref<1x128x200xi32, #tpu.memory_space<hbm>>
      %dma_wait3A_65 = tpu.memref_squeeze %dma_wait3A_64 : memref<1x128x200xi32, #tpu.memory_space<hbm>> -> memref<128x200xi32, #tpu.memory_space<hbm>>
      %dma_wait3A_66 = arith.constant 0 : i32
      %dma_wait3A_67 = arith.constant 0 : i32
      %dma_wait3A_68 = tpu.memref_slice %arg5[%add3A, %dma_wait3A_66, %dma_wait3A_67] : memref<32x128x200xi32, #tpu.memory_space<hbm>> -> memref<1x128x200xi32, #tpu.memory_space<hbm>>
      %dma_wait3A_69 = tpu.memref_squeeze %dma_wait3A_68 : memref<1x128x200xi32, #tpu.memory_space<hbm>> -> memref<128x200xi32, #tpu.memory_space<hbm>>
      tpu.wait_dma2 semaphore(%run_scoped3A : memref<!tpu.dma_semaphore, #tpu.memory_space<semaphore_mem>>) src(%dma_wait3A_69 : memref<128x200xi32, #tpu.memory_space<hbm>>) dst(%arg8 : memref<128x200xi32, #tpu.memory_space<vmem>>)
      tpu.yield
    }) : () -> ()
    %barrier3A = arith.constant 0 : index
    tpu.barrier barrier_id(%barrier3A)
    %dma_start3A = arith.constant 0 : i32
    %dma_start3A_3 = arith.constant 0 : i32
    %dma_start3A_4 = arith.constant 0 : i32
    %dma_start3A_5 = arith.constant 0 : i32
    %dma_start3A_6 = tpu.memref_slice %arg9[%dma_start3A_3, %dma_start3A_4, %dma_start3A_5] : memref<4x200x64xf32, #tpu.memory_space<vmem>> -> memref<1x200x64xf32, #tpu.memory_space<vmem>>
    %dma_start3A_7 = tpu.memref_squeeze %dma_start3A_6 : memref<1x200x64xf32, #tpu.memory_space<vmem>> -> memref<200x64xf32, #tpu.memory_space<vmem>>
    %dma_start3A_8 = arith.constant 0 : i32
    %dma_start3A_9 = tpu.memref_slice %arg7[%dma_start3A, %dma_start3A_8] : memref<128x200xi32, #tpu.memory_space<vmem>> -> memref<1x200xi32, #tpu.memory_space<vmem>>
    %dma_start3A_10 = tpu.memref_squeeze %dma_start3A_9 : memref<1x200xi32, #tpu.memory_space<vmem>> -> memref<200xi32, #tpu.memory_space<vmem>>
    %dma_start3A_11 = arith.constant 0 : i32
    %dma_start3A_12 = arith.constant 0 : i32
    %dma_start3A_13 = tpu.memref_slice %arg10[%dma_start3A_11, %dma_start3A_12] : memref<2049x64xf32, #tpu.memory_space<vmem_shared>> -> memref<2049x64xf32, #tpu.memory_space<vmem_shared>>
    tpu.enqueue_indirect_dma source(%dma_start3A_13 : memref<2049x64xf32, #tpu.memory_space<vmem_shared>>) target(%dma_start3A_7 : memref<200x64xf32, #tpu.memory_space<vmem>>) offsets(%dma_start3A_10 : memref<200xi32, #tpu.memory_space<vmem>>) semaphore(%arg12 : memref<!tpu.dma_semaphore, #tpu.memory_space<semaphore_mem>>)
    %dma_start3A_14 = arith.constant 1 : i32
    %dma_start3A_15 = arith.constant 1 : i32
    %dma_start3A_16 = arith.constant 0 : i32
    %dma_start3A_17 = arith.constant 0 : i32
    %dma_start3A_18 = tpu.memref_slice %arg9[%dma_start3A_15, %dma_start3A_16, %dma_start3A_17] : memref<4x200x64xf32, #tpu.memory_space<vmem>> -> memref<1x200x64xf32, #tpu.memory_space<vmem>>
    %dma_start3A_19 = tpu.memref_squeeze %dma_start3A_18 : memref<1x200x64xf32, #tpu.memory_space<vmem>> -> memref<200x64xf32, #tpu.memory_space<vmem>>
    %dma_start3A_20 = arith.constant 0 : i32
    %dma_start3A_21 = tpu.memref_slice %arg7[%dma_start3A_14, %dma_start3A_20] : memref<128x200xi32, #tpu.memory_space<vmem>> -> memref<1x200xi32, #tpu.memory_space<vmem>>
    %dma_start3A_22 = tpu.memref_squeeze %dma_start3A_21 : memref<1x200xi32, #tpu.memory_space<vmem>> -> memref<200xi32, #tpu.memory_space<vmem>>
    %dma_start3A_23 = arith.constant 0 : i32
    %dma_start3A_24 = arith.constant 0 : i32
    %dma_start3A_25 = tpu.memref_slice %arg10[%dma_start3A_23, %dma_start3A_24] : memref<2049x64xf32, #tpu.memory_space<vmem_shared>> -> memref<2049x64xf32, #tpu.memory_space<vmem_shared>>
    tpu.enqueue_indirect_dma source(%dma_start3A_25 : memref<2049x64xf32, #tpu.memory_space<vmem_shared>>) target(%dma_start3A_19 : memref<200x64xf32, #tpu.memory_space<vmem>>) offsets(%dma_start3A_22 : memref<200xi32, #tpu.memory_space<vmem>>) semaphore(%arg13 : memref<!tpu.dma_semaphore, #tpu.memory_space<semaphore_mem>>)
    %dma_start3A_26 = arith.constant 2 : i32
    %dma_start3A_27 = arith.constant 2 : i32
    %dma_start3A_28 = arith.constant 0 : i32
    %dma_start3A_29 = arith.constant 0 : i32
    %dma_start3A_30 = tpu.memref_slice %arg9[%dma_start3A_27, %dma_start3A_28, %dma_start3A_29] : memref<4x200x64xf32, #tpu.memory_space<vmem>> -> memref<1x200x64xf32, #tpu.memory_space<vmem>>
    %dma_start3A_31 = tpu.memref_squeeze %dma_start3A_30 : memref<1x200x64xf32, #tpu.memory_space<vmem>> -> memref<200x64xf32, #tpu.memory_space<vmem>>
    %dma_start3A_32 = arith.constant 0 : i32
    %dma_start3A_33 = tpu.memref_slice %arg7[%dma_start3A_26, %dma_start3A_32] : memref<128x200xi32, #tpu.memory_space<vmem>> -> memref<1x200xi32, #tpu.memory_space<vmem>>
    %dma_start3A_34 = tpu.memref_squeeze %dma_start3A_33 : memref<1x200xi32, #tpu.memory_space<vmem>> -> memref<200xi32, #tpu.memory_space<vmem>>
    %dma_start3A_35 = arith.constant 0 : i32
    %dma_start3A_36 = arith.constant 0 : i32
    %dma_start3A_37 = tpu.memref_slice %arg10[%dma_start3A_35, %dma_start3A_36] : memref<2049x64xf32, #tpu.memory_space<vmem_shared>> -> memref<2049x64xf32, #tpu.memory_space<vmem_shared>>
    tpu.enqueue_indirect_dma source(%dma_start3A_37 : memref<2049x64xf32, #tpu.memory_space<vmem_shared>>) target(%dma_start3A_31 : memref<200x64xf32, #tpu.memory_space<vmem>>) offsets(%dma_start3A_34 : memref<200xi32, #tpu.memory_space<vmem>>) semaphore(%arg14 : memref<!tpu.dma_semaphore, #tpu.memory_space<semaphore_mem>>)
    %dma_start3A_38 = arith.constant 3 : i32
    %dma_start3A_39 = arith.constant 3 : i32
    %dma_start3A_40 = arith.constant 0 : i32
    %dma_start3A_41 = arith.constant 0 : i32
    %dma_start3A_42 = tpu.memref_slice %arg9[%dma_start3A_39, %dma_start3A_40, %dma_start3A_41] : memref<4x200x64xf32, #tpu.memory_space<vmem>> -> memref<1x200x64xf32, #tpu.memory_space<vmem>>
    %dma_start3A_43 = tpu.memref_squeeze %dma_start3A_42 : memref<1x200x64xf32, #tpu.memory_space<vmem>> -> memref<200x64xf32, #tpu.memory_space<vmem>>
    %dma_start3A_44 = arith.constant 0 : i32
    %dma_start3A_45 = tpu.memref_slice %arg7[%dma_start3A_38, %dma_start3A_44] : memref<128x200xi32, #tpu.memory_space<vmem>> -> memref<1x200xi32, #tpu.memory_space<vmem>>
    %dma_start3A_46 = tpu.memref_squeeze %dma_start3A_45 : memref<1x200xi32, #tpu.memory_space<vmem>> -> memref<200xi32, #tpu.memory_space<vmem>>
    %dma_start3A_47 = arith.constant 0 : i32
    %dma_start3A_48 = arith.constant 0 : i32
    %dma_start3A_49 = tpu.memref_slice %arg10[%dma_start3A_47, %dma_start3A_48] : memref<2049x64xf32, #tpu.memory_space<vmem_shared>> -> memref<2049x64xf32, #tpu.memory_space<vmem_shared>>
    tpu.enqueue_indirect_dma source(%dma_start3A_49 : memref<2049x64xf32, #tpu.memory_space<vmem_shared>>) target(%dma_start3A_43 : memref<200x64xf32, #tpu.memory_space<vmem>>) offsets(%dma_start3A_46 : memref<200xi32, #tpu.memory_space<vmem>>) semaphore(%arg15 : memref<!tpu.dma_semaphore, #tpu.memory_space<semaphore_mem>>)
    %scan3A = arith.constant 0 : i32
    %scan3A_50 = arith.constant 0 : i32
    %scan3A_51 = arith.constant 32 : i32
    %scan3A_52 = arith.addi %scan3A_50, %scan3A_51 : i32
    %scan3A_53 = arith.constant 1 : i32
    scf.for %scan3A_55 = %scan3A_50 to %scan3A_52 step %scan3A_53  : i32 {
      %mul3A_56 = arith.constant 4 : i32
      %mul3A_57 = arith.muli %scan3A_55, %mul3A_56 : i32
      %add3A_58 = arith.constant 0 : i32
      %add3A_59 = arith.addi %mul3A_57, %add3A_58 : i32
      %dma_wait3A = arith.constant 0 : i32
      %dma_wait3A_60 = arith.constant 0 : i32
      %dma_wait3A_61 = arith.constant 0 : i32
      %dma_wait3A_62 = tpu.memref_slice %arg9[%dma_wait3A, %dma_wait3A_60, %dma_wait3A_61] : memref<4x200x64xf32, #tpu.memory_space<vmem>> -> memref<1x200x64xf32, #tpu.memory_space<vmem>>
      %dma_wait3A_63 = tpu.memref_squeeze %dma_wait3A_62 : memref<1x200x64xf32, #tpu.memory_space<vmem>> -> memref<200x64xf32, #tpu.memory_space<vmem>>
      %dma_wait3A_64 = arith.constant 0 : i32
      %dma_wait3A_65 = tpu.memref_slice %arg7[%add3A_59, %dma_wait3A_64] : memref<128x200xi32, #tpu.memory_space<vmem>> -> memref<1x200xi32, #tpu.memory_space<vmem>>
      %dma_wait3A_66 = tpu.memref_squeeze %dma_wait3A_65 : memref<1x200xi32, #tpu.memory_space<vmem>> -> memref<200xi32, #tpu.memory_space<vmem>>
      %dma_wait3A_67 = arith.constant 0 : i32
      %dma_wait3A_68 = arith.constant 0 : i32
      %dma_wait3A_69 = tpu.memref_slice %arg10[%dma_wait3A_67, %dma_wait3A_68] : memref<2049x64xf32, #tpu.memory_space<vmem_shared>> -> memref<2049x64xf32, #tpu.memory_space<vmem_shared>>
      tpu.wait_indirect_dma semaphore(%arg12 : memref<!tpu.dma_semaphore, #tpu.memory_space<semaphore_mem>>) src(%dma_wait3A_69 : memref<2049x64xf32, #tpu.memory_space<vmem_shared>>) dst(%dma_wait3A_63 : memref<200x64xf32, #tpu.memory_space<vmem>>)
      %add3A_70 = arith.constant 0 : i32
      %add3A_71 = arith.addi %mul3A_57, %add3A_70 : i32
      %dma_start3A_72 = arith.constant 0 : i32
      %dma_start3A_73 = arith.constant 0 : i32
      %dma_start3A_74 = arith.constant 0 : i32
      %dma_start3A_75 = tpu.memref_slice %arg9[%dma_start3A_72, %dma_start3A_73, %dma_start3A_74] : memref<4x200x64xf32, #tpu.memory_space<vmem>> -> memref<1x200x64xf32, #tpu.memory_space<vmem>>
      %dma_start3A_76 = tpu.memref_squeeze %dma_start3A_75 : memref<1x200x64xf32, #tpu.memory_space<vmem>> -> memref<200x64xf32, #tpu.memory_space<vmem>>
      %dma_start3A_77 = arith.constant 0 : i32
      %dma_start3A_78 = tpu.memref_slice %arg8[%add3A_71, %dma_start3A_77] : memref<128x200xi32, #tpu.memory_space<vmem>> -> memref<1x200xi32, #tpu.memory_space<vmem>>
      %dma_start3A_79 = tpu.memref_squeeze %dma_start3A_78 : memref<1x200xi32, #tpu.memory_space<vmem>> -> memref<200xi32, #tpu.memory_space<vmem>>
      %dma_start3A_80 = arith.constant 0 : i32
      %dma_start3A_81 = arith.constant 0 : i32
      %dma_start3A_82 = tpu.memref_slice %arg11[%dma_start3A_80, %dma_start3A_81] : memref<2049x64xf32, #tpu.memory_space<vmem_shared>> -> memref<2049x64xf32, #tpu.memory_space<vmem_shared>>
      tpu.enqueue_indirect_dma source(%dma_start3A_82 : memref<2049x64xf32, #tpu.memory_space<vmem_shared>>) target(%dma_start3A_76 : memref<200x64xf32, #tpu.memory_space<vmem>>) offsets(%dma_start3A_79 : memref<200xi32, #tpu.memory_space<vmem>>) semaphore(%arg12 : memref<!tpu.dma_semaphore, #tpu.memory_space<semaphore_mem>>) {add = true}
      %add3A_83 = arith.constant 1 : i32
      %add3A_84 = arith.addi %mul3A_57, %add3A_83 : i32
      %dma_wait3A_85 = arith.constant 1 : i32
      %dma_wait3A_86 = arith.constant 0 : i32
      %dma_wait3A_87 = arith.constant 0 : i32
      %dma_wait3A_88 = tpu.memref_slice %arg9[%dma_wait3A_85, %dma_wait3A_86, %dma_wait3A_87] : memref<4x200x64xf32, #tpu.memory_space<vmem>> -> memref<1x200x64xf32, #tpu.memory_space<vmem>>
      %dma_wait3A_89 = tpu.memref_squeeze %dma_wait3A_88 : memref<1x200x64xf32, #tpu.memory_space<vmem>> -> memref<200x64xf32, #tpu.memory_space<vmem>>
      %dma_wait3A_90 = arith.constant 0 : i32
      %dma_wait3A_91 = tpu.memref_slice %arg7[%add3A_84, %dma_wait3A_90] : memref<128x200xi32, #tpu.memory_space<vmem>> -> memref<1x200xi32, #tpu.memory_space<vmem>>
      %dma_wait3A_92 = tpu.memref_squeeze %dma_wait3A_91 : memref<1x200xi32, #tpu.memory_space<vmem>> -> memref<200xi32, #tpu.memory_space<vmem>>
      %dma_wait3A_93 = arith.constant 0 : i32
      %dma_wait3A_94 = arith.constant 0 : i32
      %dma_wait3A_95 = tpu.memref_slice %arg10[%dma_wait3A_93, %dma_wait3A_94] : memref<2049x64xf32, #tpu.memory_space<vmem_shared>> -> memref<2049x64xf32, #tpu.memory_space<vmem_shared>>
      tpu.wait_indirect_dma semaphore(%arg13 : memref<!tpu.dma_semaphore, #tpu.memory_space<semaphore_mem>>) src(%dma_wait3A_95 : memref<2049x64xf32, #tpu.memory_space<vmem_shared>>) dst(%dma_wait3A_89 : memref<200x64xf32, #tpu.memory_space<vmem>>)
      %add3A_96 = arith.constant 1 : i32
      %add3A_97 = arith.addi %mul3A_57, %add3A_96 : i32
      %dma_start3A_98 = arith.constant 1 : i32
      %dma_start3A_99 = arith.constant 0 : i32
      %dma_start3A_100 = arith.constant 0 : i32
      %dma_start3A_101 = tpu.memref_slice %arg9[%dma_start3A_98, %dma_start3A_99, %dma_start3A_100] : memref<4x200x64xf32, #tpu.memory_space<vmem>> -> memref<1x200x64xf32, #tpu.memory_space<vmem>>
      %dma_start3A_102 = tpu.memref_squeeze %dma_start3A_101 : memref<1x200x64xf32, #tpu.memory_space<vmem>> -> memref<200x64xf32, #tpu.memory_space<vmem>>
      %dma_start3A_103 = arith.constant 0 : i32
      %dma_start3A_104 = tpu.memref_slice %arg8[%add3A_97, %dma_start3A_103] : memref<128x200xi32, #tpu.memory_space<vmem>> -> memref<1x200xi32, #tpu.memory_space<vmem>>
      %dma_start3A_105 = tpu.memref_squeeze %dma_start3A_104 : memref<1x200xi32, #tpu.memory_space<vmem>> -> memref<200xi32, #tpu.memory_space<vmem>>
      %dma_start3A_106 = arith.constant 0 : i32
      %dma_start3A_107 = arith.constant 0 : i32
      %dma_start3A_108 = tpu.memref_slice %arg11[%dma_start3A_106, %dma_start3A_107] : memref<2049x64xf32, #tpu.memory_space<vmem_shared>> -> memref<2049x64xf32, #tpu.memory_space<vmem_shared>>
      tpu.enqueue_indirect_dma source(%dma_start3A_108 : memref<2049x64xf32, #tpu.memory_space<vmem_shared>>) target(%dma_start3A_102 : memref<200x64xf32, #tpu.memory_space<vmem>>) offsets(%dma_start3A_105 : memref<200xi32, #tpu.memory_space<vmem>>) semaphore(%arg13 : memref<!tpu.dma_semaphore, #tpu.memory_space<semaphore_mem>>) {add = true}
      %add3A_109 = arith.constant 2 : i32
      %add3A_110 = arith.addi %mul3A_57, %add3A_109 : i32
      %dma_wait3A_111 = arith.constant 2 : i32
      %dma_wait3A_112 = arith.constant 0 : i32
      %dma_wait3A_113 = arith.constant 0 : i32
      %dma_wait3A_114 = tpu.memref_slice %arg9[%dma_wait3A_111, %dma_wait3A_112, %dma_wait3A_113] : memref<4x200x64xf32, #tpu.memory_space<vmem>> -> memref<1x200x64xf32, #tpu.memory_space<vmem>>
      %dma_wait3A_115 = tpu.memref_squeeze %dma_wait3A_114 : memref<1x200x64xf32, #tpu.memory_space<vmem>> -> memref<200x64xf32, #tpu.memory_space<vmem>>
      %dma_wait3A_116 = arith.constant 0 : i32
      %dma_wait3A_117 = tpu.memref_slice %arg7[%add3A_110, %dma_wait3A_116] : memref<128x200xi32, #tpu.memory_space<vmem>> -> memref<1x200xi32, #tpu.memory_space<vmem>>
      %dma_wait3A_118 = tpu.memref_squeeze %dma_wait3A_117 : memref<1x200xi32, #tpu.memory_space<vmem>> -> memref<200xi32, #tpu.memory_space<vmem>>
      %dma_wait3A_119 = arith.constant 0 : i32
      %dma_wait3A_120 = arith.constant 0 : i32
      %dma_wait3A_121 = tpu.memref_slice %arg10[%dma_wait3A_119, %dma_wait3A_120] : memref<2049x64xf32, #tpu.memory_space<vmem_shared>> -> memref<2049x64xf32, #tpu.memory_space<vmem_shared>>
      tpu.wait_indirect_dma semaphore(%arg14 : memref<!tpu.dma_semaphore, #tpu.memory_space<semaphore_mem>>) src(%dma_wait3A_121 : memref<2049x64xf32, #tpu.memory_space<vmem_shared>>) dst(%dma_wait3A_115 : memref<200x64xf32, #tpu.memory_space<vmem>>)
      %add3A_122 = arith.constant 2 : i32
      %add3A_123 = arith.addi %mul3A_57, %add3A_122 : i32
      %dma_start3A_124 = arith.constant 2 : i32
      %dma_start3A_125 = arith.constant 0 : i32
      %dma_start3A_126 = arith.constant 0 : i32
      %dma_start3A_127 = tpu.memref_slice %arg9[%dma_start3A_124, %dma_start3A_125, %dma_start3A_126] : memref<4x200x64xf32, #tpu.memory_space<vmem>> -> memref<1x200x64xf32, #tpu.memory_space<vmem>>
      %dma_start3A_128 = tpu.memref_squeeze %dma_start3A_127 : memref<1x200x64xf32, #tpu.memory_space<vmem>> -> memref<200x64xf32, #tpu.memory_space<vmem>>
      %dma_start3A_129 = arith.constant 0 : i32
      %dma_start3A_130 = tpu.memref_slice %arg8[%add3A_123, %dma_start3A_129] : memref<128x200xi32, #tpu.memory_space<vmem>> -> memref<1x200xi32, #tpu.memory_space<vmem>>
      %dma_start3A_131 = tpu.memref_squeeze %dma_start3A_130 : memref<1x200xi32, #tpu.memory_space<vmem>> -> memref<200xi32, #tpu.memory_space<vmem>>
      %dma_start3A_132 = arith.constant 0 : i32
      %dma_start3A_133 = arith.constant 0 : i32
      %dma_start3A_134 = tpu.memref_slice %arg11[%dma_start3A_132, %dma_start3A_133] : memref<2049x64xf32, #tpu.memory_space<vmem_shared>> -> memref<2049x64xf32, #tpu.memory_space<vmem_shared>>
      tpu.enqueue_indirect_dma source(%dma_start3A_134 : memref<2049x64xf32, #tpu.memory_space<vmem_shared>>) target(%dma_start3A_128 : memref<200x64xf32, #tpu.memory_space<vmem>>) offsets(%dma_start3A_131 : memref<200xi32, #tpu.memory_space<vmem>>) semaphore(%arg14 : memref<!tpu.dma_semaphore, #tpu.memory_space<semaphore_mem>>) {add = true}
      %add3A_135 = arith.constant 3 : i32
      %add3A_136 = arith.addi %mul3A_57, %add3A_135 : i32
      %dma_wait3A_137 = arith.constant 3 : i32
      %dma_wait3A_138 = arith.constant 0 : i32
      %dma_wait3A_139 = arith.constant 0 : i32
      %dma_wait3A_140 = tpu.memref_slice %arg9[%dma_wait3A_137, %dma_wait3A_138, %dma_wait3A_139] : memref<4x200x64xf32, #tpu.memory_space<vmem>> -> memref<1x200x64xf32, #tpu.memory_space<vmem>>
      %dma_wait3A_141 = tpu.memref_squeeze %dma_wait3A_140 : memref<1x200x64xf32, #tpu.memory_space<vmem>> -> memref<200x64xf32, #tpu.memory_space<vmem>>
      %dma_wait3A_142 = arith.constant 0 : i32
      %dma_wait3A_143 = tpu.memref_slice %arg7[%add3A_136, %dma_wait3A_142] : memref<128x200xi32, #tpu.memory_space<vmem>> -> memref<1x200xi32, #tpu.memory_space<vmem>>
      %dma_wait3A_144 = tpu.memref_squeeze %dma_wait3A_143 : memref<1x200xi32, #tpu.memory_space<vmem>> -> memref<200xi32, #tpu.memory_space<vmem>>
      %dma_wait3A_145 = arith.constant 0 : i32
      %dma_wait3A_146 = arith.constant 0 : i32
      %dma_wait3A_147 = tpu.memref_slice %arg10[%dma_wait3A_145, %dma_wait3A_146] : memref<2049x64xf32, #tpu.memory_space<vmem_shared>> -> memref<2049x64xf32, #tpu.memory_space<vmem_shared>>
      tpu.wait_indirect_dma semaphore(%arg15 : memref<!tpu.dma_semaphore, #tpu.memory_space<semaphore_mem>>) src(%dma_wait3A_147 : memref<2049x64xf32, #tpu.memory_space<vmem_shared>>) dst(%dma_wait3A_141 : memref<200x64xf32, #tpu.memory_space<vmem>>)
      %add3A_148 = arith.constant 3 : i32
      %add3A_149 = arith.addi %mul3A_57, %add3A_148 : i32
      %dma_start3A_150 = arith.constant 3 : i32
      %dma_start3A_151 = arith.constant 0 : i32
      %dma_start3A_152 = arith.constant 0 : i32
      %dma_start3A_153 = tpu.memref_slice %arg9[%dma_start3A_150, %dma_start3A_151, %dma_start3A_152] : memref<4x200x64xf32, #tpu.memory_space<vmem>> -> memref<1x200x64xf32, #tpu.memory_space<vmem>>
      %dma_start3A_154 = tpu.memref_squeeze %dma_start3A_153 : memref<1x200x64xf32, #tpu.memory_space<vmem>> -> memref<200x64xf32, #tpu.memory_space<vmem>>
      %dma_start3A_155 = arith.constant 0 : i32
      %dma_start3A_156 = tpu.memref_slice %arg8[%add3A_149, %dma_start3A_155] : memref<128x200xi32, #tpu.memory_space<vmem>> -> memref<1x200xi32, #tpu.memory_space<vmem>>
      %dma_start3A_157 = tpu.memref_squeeze %dma_start3A_156 : memref<1x200xi32, #tpu.memory_space<vmem>> -> memref<200xi32, #tpu.memory_space<vmem>>
      %dma_start3A_158 = arith.constant 0 : i32
      %dma_start3A_159 = arith.constant 0 : i32
      %dma_start3A_160 = tpu.memref_slice %arg11[%dma_start3A_158, %dma_start3A_159] : memref<2049x64xf32, #tpu.memory_space<vmem_shared>> -> memref<2049x64xf32, #tpu.memory_space<vmem_shared>>
      tpu.enqueue_indirect_dma source(%dma_start3A_160 : memref<2049x64xf32, #tpu.memory_space<vmem_shared>>) target(%dma_start3A_154 : memref<200x64xf32, #tpu.memory_space<vmem>>) offsets(%dma_start3A_157 : memref<200xi32, #tpu.memory_space<vmem>>) semaphore(%arg15 : memref<!tpu.dma_semaphore, #tpu.memory_space<semaphore_mem>>) {add = true}
      %add3A_161 = arith.constant 0 : i32
      %add3A_162 = arith.addi %mul3A_57, %add3A_161 : i32
      %dma_wait3A_163 = arith.constant 0 : i32
      %dma_wait3A_164 = arith.constant 0 : i32
      %dma_wait3A_165 = arith.constant 0 : i32
      %dma_wait3A_166 = tpu.memref_slice %arg9[%dma_wait3A_163, %dma_wait3A_164, %dma_wait3A_165] : memref<4x200x64xf32, #tpu.memory_space<vmem>> -> memref<1x200x64xf32, #tpu.memory_space<vmem>>
      %dma_wait3A_167 = tpu.memref_squeeze %dma_wait3A_166 : memref<1x200x64xf32, #tpu.memory_space<vmem>> -> memref<200x64xf32, #tpu.memory_space<vmem>>
      %dma_wait3A_168 = arith.constant 0 : i32
      %dma_wait3A_169 = tpu.memref_slice %arg8[%add3A_162, %dma_wait3A_168] : memref<128x200xi32, #tpu.memory_space<vmem>> -> memref<1x200xi32, #tpu.memory_space<vmem>>
      %dma_wait3A_170 = tpu.memref_squeeze %dma_wait3A_169 : memref<1x200xi32, #tpu.memory_space<vmem>> -> memref<200xi32, #tpu.memory_space<vmem>>
      %dma_wait3A_171 = arith.constant 0 : i32
      %dma_wait3A_172 = arith.constant 0 : i32
      %dma_wait3A_173 = tpu.memref_slice %arg11[%dma_wait3A_171, %dma_wait3A_172] : memref<2049x64xf32, #tpu.memory_space<vmem_shared>> -> memref<2049x64xf32, #tpu.memory_space<vmem_shared>>
      tpu.wait_indirect_dma semaphore(%arg12 : memref<!tpu.dma_semaphore, #tpu.memory_space<semaphore_mem>>) src(%dma_wait3A_173 : memref<2049x64xf32, #tpu.memory_space<vmem_shared>>) dst(%dma_wait3A_167 : memref<200x64xf32, #tpu.memory_space<vmem>>)
      %add3A_174 = arith.constant 0 : i32
      %add3A_175 = arith.addi %mul3A_57, %add3A_174 : i32
      %mul3A_176 = arith.constant 128 : i32
      %mul3A_177 = arith.muli %add3A, %mul3A_176 : i32
      %add3A_178 = arith.addi %mul3A_177, %add3A_175 : i32
      %dma_start3A_179 = arith.constant 0 : i32
      %dma_start3A_180 = arith.constant 0 : i32
      %dma_start3A_181 = arith.constant 0 : i32
      %dma_start3A_182 = tpu.memref_slice %arg9[%dma_start3A_179, %dma_start3A_180, %dma_start3A_181] : memref<4x200x64xf32, #tpu.memory_space<vmem>> -> memref<1x200x64xf32, #tpu.memory_space<vmem>>
      %dma_start3A_183 = tpu.memref_squeeze %dma_start3A_182 : memref<1x200x64xf32, #tpu.memory_space<vmem>> -> memref<200x64xf32, #tpu.memory_space<vmem>>
      %dma_start3A_184 = arith.constant 0 : i32
      %dma_start3A_185 = arith.constant 0 : i32
      %dma_start3A_186 = tpu.memref_slice %arg6[%add3A_178, %dma_start3A_184, %dma_start3A_185] : memref<4096x200x64xf32, #tpu.memory_space<hbm>> -> memref<1x200x64xf32, #tpu.memory_space<hbm>>
      %dma_start3A_187 = tpu.memref_squeeze %dma_start3A_186 : memref<1x200x64xf32, #tpu.memory_space<hbm>> -> memref<200x64xf32, #tpu.memory_space<hbm>>
      %dma_start3A_188 = arith.constant 0 : i32
      %dma_start3A_189 = arith.constant 0 : i32
      %dma_start3A_190 = tpu.memref_slice %arg6[%add3A_178, %dma_start3A_188, %dma_start3A_189] : memref<4096x200x64xf32, #tpu.memory_space<hbm>> -> memref<1x200x64xf32, #tpu.memory_space<hbm>>
      %dma_start3A_191 = tpu.memref_squeeze %dma_start3A_190 : memref<1x200x64xf32, #tpu.memory_space<hbm>> -> memref<200x64xf32, #tpu.memory_space<hbm>>
      %dma_start3A_192 = arith.constant 0 : i32
      %dma_start3A_193 = arith.constant 0 : i32
      %dma_start3A_194 = tpu.memref_slice %arg9[%dma_start3A_179, %dma_start3A_192, %dma_start3A_193] : memref<4x200x64xf32, #tpu.memory_space<vmem>> -> memref<1x200x64xf32, #tpu.memory_space<vmem>>
      %dma_start3A_195 = tpu.memref_squeeze %dma_start3A_194 : memref<1x200x64xf32, #tpu.memory_space<vmem>> -> memref<200x64xf32, #tpu.memory_space<vmem>>
      tpu.enqueue_dma source(%dma_start3A_195 : memref<200x64xf32, #tpu.memory_space<vmem>>) target(%dma_start3A_191 : memref<200x64xf32, #tpu.memory_space<hbm>>) target_semaphore(%arg12 : memref<!tpu.dma_semaphore, #tpu.memory_space<semaphore_mem>>)
      %add3A_196 = arith.constant 1 : i32
      %add3A_197 = arith.addi %mul3A_57, %add3A_196 : i32
      %dma_wait3A_198 = arith.constant 1 : i32
      %dma_wait3A_199 = arith.constant 0 : i32
      %dma_wait3A_200 = arith.constant 0 : i32
      %dma_wait3A_201 = tpu.memref_slice %arg9[%dma_wait3A_198, %dma_wait3A_199, %dma_wait3A_200] : memref<4x200x64xf32, #tpu.memory_space<vmem>> -> memref<1x200x64xf32, #tpu.memory_space<vmem>>
      %dma_wait3A_202 = tpu.memref_squeeze %dma_wait3A_201 : memref<1x200x64xf32, #tpu.memory_space<vmem>> -> memref<200x64xf32, #tpu.memory_space<vmem>>
      %dma_wait3A_203 = arith.constant 0 : i32
      %dma_wait3A_204 = tpu.memref_slice %arg8[%add3A_197, %dma_wait3A_203] : memref<128x200xi32, #tpu.memory_space<vmem>> -> memref<1x200xi32, #tpu.memory_space<vmem>>
      %dma_wait3A_205 = tpu.memref_squeeze %dma_wait3A_204 : memref<1x200xi32, #tpu.memory_space<vmem>> -> memref<200xi32, #tpu.memory_space<vmem>>
      %dma_wait3A_206 = arith.constant 0 : i32
      %dma_wait3A_207 = arith.constant 0 : i32
      %dma_wait3A_208 = tpu.memref_slice %arg11[%dma_wait3A_206, %dma_wait3A_207] : memref<2049x64xf32, #tpu.memory_space<vmem_shared>> -> memref<2049x64xf32, #tpu.memory_space<vmem_shared>>
      tpu.wait_indirect_dma semaphore(%arg13 : memref<!tpu.dma_semaphore, #tpu.memory_space<semaphore_mem>>) src(%dma_wait3A_208 : memref<2049x64xf32, #tpu.memory_space<vmem_shared>>) dst(%dma_wait3A_202 : memref<200x64xf32, #tpu.memory_space<vmem>>)
      %add3A_209 = arith.constant 1 : i32
      %add3A_210 = arith.addi %mul3A_57, %add3A_209 : i32
      %mul3A_211 = arith.constant 128 : i32
      %mul3A_212 = arith.muli %add3A, %mul3A_211 : i32
      %add3A_213 = arith.addi %mul3A_212, %add3A_210 : i32
      %dma_start3A_214 = arith.constant 1 : i32
      %dma_start3A_215 = arith.constant 0 : i32
      %dma_start3A_216 = arith.constant 0 : i32
      %dma_start3A_217 = tpu.memref_slice %arg9[%dma_start3A_214, %dma_start3A_215, %dma_start3A_216] : memref<4x200x64xf32, #tpu.memory_space<vmem>> -> memref<1x200x64xf32, #tpu.memory_space<vmem>>
      %dma_start3A_218 = tpu.memref_squeeze %dma_start3A_217 : memref<1x200x64xf32, #tpu.memory_space<vmem>> -> memref<200x64xf32, #tpu.memory_space<vmem>>
      %dma_start3A_219 = arith.constant 0 : i32
      %dma_start3A_220 = arith.constant 0 : i32
      %dma_start3A_221 = tpu.memref_slice %arg6[%add3A_213, %dma_start3A_219, %dma_start3A_220] : memref<4096x200x64xf32, #tpu.memory_space<hbm>> -> memref<1x200x64xf32, #tpu.memory_space<hbm>>
      %dma_start3A_222 = tpu.memref_squeeze %dma_start3A_221 : memref<1x200x64xf32, #tpu.memory_space<hbm>> -> memref<200x64xf32, #tpu.memory_space<hbm>>
      %dma_start3A_223 = arith.constant 0 : i32
      %dma_start3A_224 = arith.constant 0 : i32
      %dma_start3A_225 = tpu.memref_slice %arg6[%add3A_213, %dma_start3A_223, %dma_start3A_224] : memref<4096x200x64xf32, #tpu.memory_space<hbm>> -> memref<1x200x64xf32, #tpu.memory_space<hbm>>
      %dma_start3A_226 = tpu.memref_squeeze %dma_start3A_225 : memref<1x200x64xf32, #tpu.memory_space<hbm>> -> memref<200x64xf32, #tpu.memory_space<hbm>>
      %dma_start3A_227 = arith.constant 0 : i32
      %dma_start3A_228 = arith.constant 0 : i32
      %dma_start3A_229 = tpu.memref_slice %arg9[%dma_start3A_214, %dma_start3A_227, %dma_start3A_228] : memref<4x200x64xf32, #tpu.memory_space<vmem>> -> memref<1x200x64xf32, #tpu.memory_space<vmem>>
      %dma_start3A_230 = tpu.memref_squeeze %dma_start3A_229 : memref<1x200x64xf32, #tpu.memory_space<vmem>> -> memref<200x64xf32, #tpu.memory_space<vmem>>
      tpu.enqueue_dma source(%dma_start3A_230 : memref<200x64xf32, #tpu.memory_space<vmem>>) target(%dma_start3A_226 : memref<200x64xf32, #tpu.memory_space<hbm>>) target_semaphore(%arg13 : memref<!tpu.dma_semaphore, #tpu.memory_space<semaphore_mem>>)
      %add3A_231 = arith.constant 2 : i32
      %add3A_232 = arith.addi %mul3A_57, %add3A_231 : i32
      %dma_wait3A_233 = arith.constant 2 : i32
      %dma_wait3A_234 = arith.constant 0 : i32
      %dma_wait3A_235 = arith.constant 0 : i32
      %dma_wait3A_236 = tpu.memref_slice %arg9[%dma_wait3A_233, %dma_wait3A_234, %dma_wait3A_235] : memref<4x200x64xf32, #tpu.memory_space<vmem>> -> memref<1x200x64xf32, #tpu.memory_space<vmem>>
      %dma_wait3A_237 = tpu.memref_squeeze %dma_wait3A_236 : memref<1x200x64xf32, #tpu.memory_space<vmem>> -> memref<200x64xf32, #tpu.memory_space<vmem>>
      %dma_wait3A_238 = arith.constant 0 : i32
      %dma_wait3A_239 = tpu.memref_slice %arg8[%add3A_232, %dma_wait3A_238] : memref<128x200xi32, #tpu.memory_space<vmem>> -> memref<1x200xi32, #tpu.memory_space<vmem>>
      %dma_wait3A_240 = tpu.memref_squeeze %dma_wait3A_239 : memref<1x200xi32, #tpu.memory_space<vmem>> -> memref<200xi32, #tpu.memory_space<vmem>>
      %dma_wait3A_241 = arith.constant 0 : i32
      %dma_wait3A_242 = arith.constant 0 : i32
      %dma_wait3A_243 = tpu.memref_slice %arg11[%dma_wait3A_241, %dma_wait3A_242] : memref<2049x64xf32, #tpu.memory_space<vmem_shared>> -> memref<2049x64xf32, #tpu.memory_space<vmem_shared>>
      tpu.wait_indirect_dma semaphore(%arg14 : memref<!tpu.dma_semaphore, #tpu.memory_space<semaphore_mem>>) src(%dma_wait3A_243 : memref<2049x64xf32, #tpu.memory_space<vmem_shared>>) dst(%dma_wait3A_237 : memref<200x64xf32, #tpu.memory_space<vmem>>)
      %add3A_244 = arith.constant 2 : i32
      %add3A_245 = arith.addi %mul3A_57, %add3A_244 : i32
      %mul3A_246 = arith.constant 128 : i32
      %mul3A_247 = arith.muli %add3A, %mul3A_246 : i32
      %add3A_248 = arith.addi %mul3A_247, %add3A_245 : i32
      %dma_start3A_249 = arith.constant 2 : i32
      %dma_start3A_250 = arith.constant 0 : i32
      %dma_start3A_251 = arith.constant 0 : i32
      %dma_start3A_252 = tpu.memref_slice %arg9[%dma_start3A_249, %dma_start3A_250, %dma_start3A_251] : memref<4x200x64xf32, #tpu.memory_space<vmem>> -> memref<1x200x64xf32, #tpu.memory_space<vmem>>
      %dma_start3A_253 = tpu.memref_squeeze %dma_start3A_252 : memref<1x200x64xf32, #tpu.memory_space<vmem>> -> memref<200x64xf32, #tpu.memory_space<vmem>>
      %dma_start3A_254 = arith.constant 0 : i32
      %dma_start3A_255 = arith.constant 0 : i32
      %dma_start3A_256 = tpu.memref_slice %arg6[%add3A_248, %dma_start3A_254, %dma_start3A_255] : memref<4096x200x64xf32, #tpu.memory_space<hbm>> -> memref<1x200x64xf32, #tpu.memory_space<hbm>>
      %dma_start3A_257 = tpu.memref_squeeze %dma_start3A_256 : memref<1x200x64xf32, #tpu.memory_space<hbm>> -> memref<200x64xf32, #tpu.memory_space<hbm>>
      %dma_start3A_258 = arith.constant 0 : i32
      %dma_start3A_259 = arith.constant 0 : i32
      %dma_start3A_260 = tpu.memref_slice %arg6[%add3A_248, %dma_start3A_258, %dma_start3A_259] : memref<4096x200x64xf32, #tpu.memory_space<hbm>> -> memref<1x200x64xf32, #tpu.memory_space<hbm>>
      %dma_start3A_261 = tpu.memref_squeeze %dma_start3A_260 : memref<1x200x64xf32, #tpu.memory_space<hbm>> -> memref<200x64xf32, #tpu.memory_space<hbm>>
      %dma_start3A_262 = arith.constant 0 : i32
      %dma_start3A_263 = arith.constant 0 : i32
      %dma_start3A_264 = tpu.memref_slice %arg9[%dma_start3A_249, %dma_start3A_262, %dma_start3A_263] : memref<4x200x64xf32, #tpu.memory_space<vmem>> -> memref<1x200x64xf32, #tpu.memory_space<vmem>>
      %dma_start3A_265 = tpu.memref_squeeze %dma_start3A_264 : memref<1x200x64xf32, #tpu.memory_space<vmem>> -> memref<200x64xf32, #tpu.memory_space<vmem>>
      tpu.enqueue_dma source(%dma_start3A_265 : memref<200x64xf32, #tpu.memory_space<vmem>>) target(%dma_start3A_261 : memref<200x64xf32, #tpu.memory_space<hbm>>) target_semaphore(%arg14 : memref<!tpu.dma_semaphore, #tpu.memory_space<semaphore_mem>>)
      %add3A_266 = arith.constant 3 : i32
      %add3A_267 = arith.addi %mul3A_57, %add3A_266 : i32
      %dma_wait3A_268 = arith.constant 3 : i32
      %dma_wait3A_269 = arith.constant 0 : i32
      %dma_wait3A_270 = arith.constant 0 : i32
      %dma_wait3A_271 = tpu.memref_slice %arg9[%dma_wait3A_268, %dma_wait3A_269, %dma_wait3A_270] : memref<4x200x64xf32, #tpu.memory_space<vmem>> -> memref<1x200x64xf32, #tpu.memory_space<vmem>>
      %dma_wait3A_272 = tpu.memref_squeeze %dma_wait3A_271 : memref<1x200x64xf32, #tpu.memory_space<vmem>> -> memref<200x64xf32, #tpu.memory_space<vmem>>
      %dma_wait3A_273 = arith.constant 0 : i32
      %dma_wait3A_274 = tpu.memref_slice %arg8[%add3A_267, %dma_wait3A_273] : memref<128x200xi32, #tpu.memory_space<vmem>> -> memref<1x200xi32, #tpu.memory_space<vmem>>
      %dma_wait3A_275 = tpu.memref_squeeze %dma_wait3A_274 : memref<1x200xi32, #tpu.memory_space<vmem>> -> memref<200xi32, #tpu.memory_space<vmem>>
      %dma_wait3A_276 = arith.constant 0 : i32
      %dma_wait3A_277 = arith.constant 0 : i32
      %dma_wait3A_278 = tpu.memref_slice %arg11[%dma_wait3A_276, %dma_wait3A_277] : memref<2049x64xf32, #tpu.memory_space<vmem_shared>> -> memref<2049x64xf32, #tpu.memory_space<vmem_shared>>
      tpu.wait_indirect_dma semaphore(%arg15 : memref<!tpu.dma_semaphore, #tpu.memory_space<semaphore_mem>>) src(%dma_wait3A_278 : memref<2049x64xf32, #tpu.memory_space<vmem_shared>>) dst(%dma_wait3A_272 : memref<200x64xf32, #tpu.memory_space<vmem>>)
      %add3A_279 = arith.constant 3 : i32
      %add3A_280 = arith.addi %mul3A_57, %add3A_279 : i32
      %mul3A_281 = arith.constant 128 : i32
      %mul3A_282 = arith.muli %add3A, %mul3A_281 : i32
      %add3A_283 = arith.addi %mul3A_282, %add3A_280 : i32
      %dma_start3A_284 = arith.constant 3 : i32
      %dma_start3A_285 = arith.constant 0 : i32
      %dma_start3A_286 = arith.constant 0 : i32
      %dma_start3A_287 = tpu.memref_slice %arg9[%dma_start3A_284, %dma_start3A_285, %dma_start3A_286] : memref<4x200x64xf32, #tpu.memory_space<vmem>> -> memref<1x200x64xf32, #tpu.memory_space<vmem>>
      %dma_start3A_288 = tpu.memref_squeeze %dma_start3A_287 : memref<1x200x64xf32, #tpu.memory_space<vmem>> -> memref<200x64xf32, #tpu.memory_space<vmem>>
      %dma_start3A_289 = arith.constant 0 : i32
      %dma_start3A_290 = arith.constant 0 : i32
      %dma_start3A_291 = tpu.memref_slice %arg6[%add3A_283, %dma_start3A_289, %dma_start3A_290] : memref<4096x200x64xf32, #tpu.memory_space<hbm>> -> memref<1x200x64xf32, #tpu.memory_space<hbm>>
      %dma_start3A_292 = tpu.memref_squeeze %dma_start3A_291 : memref<1x200x64xf32, #tpu.memory_space<hbm>> -> memref<200x64xf32, #tpu.memory_space<hbm>>
      %dma_start3A_293 = arith.constant 0 : i32
      %dma_start3A_294 = arith.constant 0 : i32
      %dma_start3A_295 = tpu.memref_slice %arg6[%add3A_283, %dma_start3A_293, %dma_start3A_294] : memref<4096x200x64xf32, #tpu.memory_space<hbm>> -> memref<1x200x64xf32, #tpu.memory_space<hbm>>
      %dma_start3A_296 = tpu.memref_squeeze %dma_start3A_295 : memref<1x200x64xf32, #tpu.memory_space<hbm>> -> memref<200x64xf32, #tpu.memory_space<hbm>>
      %dma_start3A_297 = arith.constant 0 : i32
      %dma_start3A_298 = arith.constant 0 : i32
      %dma_start3A_299 = tpu.memref_slice %arg9[%dma_start3A_284, %dma_start3A_297, %dma_start3A_298] : memref<4x200x64xf32, #tpu.memory_space<vmem>> -> memref<1x200x64xf32, #tpu.memory_space<vmem>>
      %dma_start3A_300 = tpu.memref_squeeze %dma_start3A_299 : memref<1x200x64xf32, #tpu.memory_space<vmem>> -> memref<200x64xf32, #tpu.memory_space<vmem>>
      tpu.enqueue_dma source(%dma_start3A_300 : memref<200x64xf32, #tpu.memory_space<vmem>>) target(%dma_start3A_296 : memref<200x64xf32, #tpu.memory_space<hbm>>) target_semaphore(%arg15 : memref<!tpu.dma_semaphore, #tpu.memory_space<semaphore_mem>>)
      %add3A_301 = arith.constant 0 : i32
      %add3A_302 = arith.addi %mul3A_57, %add3A_301 : i32
      %mul3A_303 = arith.constant 128 : i32
      %mul3A_304 = arith.muli %add3A, %mul3A_303 : i32
      %add3A_305 = arith.addi %mul3A_304, %add3A_302 : i32
      %dma_wait3A_306 = arith.constant 0 : i32
      %dma_wait3A_307 = arith.constant 0 : i32
      %dma_wait3A_308 = arith.constant 0 : i32
      %dma_wait3A_309 = tpu.memref_slice %arg9[%dma_wait3A_306, %dma_wait3A_307, %dma_wait3A_308] : memref<4x200x64xf32, #tpu.memory_space<vmem>> -> memref<1x200x64xf32, #tpu.memory_space<vmem>>
      %dma_wait3A_310 = tpu.memref_squeeze %dma_wait3A_309 : memref<1x200x64xf32, #tpu.memory_space<vmem>> -> memref<200x64xf32, #tpu.memory_space<vmem>>
      %dma_wait3A_311 = arith.constant 0 : i32
      %dma_wait3A_312 = arith.constant 0 : i32
      %dma_wait3A_313 = tpu.memref_slice %arg6[%add3A_305, %dma_wait3A_311, %dma_wait3A_312] : memref<4096x200x64xf32, #tpu.memory_space<hbm>> -> memref<1x200x64xf32, #tpu.memory_space<hbm>>
      %dma_wait3A_314 = tpu.memref_squeeze %dma_wait3A_313 : memref<1x200x64xf32, #tpu.memory_space<hbm>> -> memref<200x64xf32, #tpu.memory_space<hbm>>
      %dma_wait3A_315 = arith.constant 0 : i32
      %dma_wait3A_316 = arith.constant 0 : i32
      %dma_wait3A_317 = tpu.memref_slice %arg6[%add3A_305, %dma_wait3A_315, %dma_wait3A_316] : memref<4096x200x64xf32, #tpu.memory_space<hbm>> -> memref<1x200x64xf32, #tpu.memory_space<hbm>>
      %dma_wait3A_318 = tpu.memref_squeeze %dma_wait3A_317 : memref<1x200x64xf32, #tpu.memory_space<hbm>> -> memref<200x64xf32, #tpu.memory_space<hbm>>
      %dma_wait3A_319 = arith.constant 0 : i32
      %dma_wait3A_320 = arith.constant 0 : i32
      %dma_wait3A_321 = tpu.memref_slice %arg9[%dma_wait3A_306, %dma_wait3A_319, %dma_wait3A_320] : memref<4x200x64xf32, #tpu.memory_space<vmem>> -> memref<1x200x64xf32, #tpu.memory_space<vmem>>
      %dma_wait3A_322 = tpu.memref_squeeze %dma_wait3A_321 : memref<1x200x64xf32, #tpu.memory_space<vmem>> -> memref<200x64xf32, #tpu.memory_space<vmem>>
      tpu.wait_dma2 semaphore(%arg12 : memref<!tpu.dma_semaphore, #tpu.memory_space<semaphore_mem>>) src(%dma_wait3A_322 : memref<200x64xf32, #tpu.memory_space<vmem>>) dst(%dma_wait3A_318 : memref<200x64xf32, #tpu.memory_space<hbm>>)
      %lt3A = arith.constant 31 : i32
      %lt3A_323 = arith.cmpi slt, %scan3A_55, %lt3A : i32
      %convert_element_type3A_324 = arith.extui %lt3A_323 : i1 to i32
      %cond3A_325 = arith.constant 0 : i32
      %cond3A_326 = arith.cmpi ne, %convert_element_type3A_324, %cond3A_325 : i32
      scf.if %cond3A_326 {
        %add3A_408 = arith.constant 4 : i32
        %add3A_409 = arith.addi %mul3A_57, %add3A_408 : i32
        %add3A_410 = arith.constant 0 : i32
        %add3A_411 = arith.addi %add3A_409, %add3A_410 : i32
        %dma_start3A_412 = arith.constant 0 : i32
        %dma_start3A_413 = arith.constant 0 : i32
        %dma_start3A_414 = arith.constant 0 : i32
        %dma_start3A_415 = tpu.memref_slice %arg9[%dma_start3A_412, %dma_start3A_413, %dma_start3A_414] : memref<4x200x64xf32, #tpu.memory_space<vmem>> -> memref<1x200x64xf32, #tpu.memory_space<vmem>>
        %dma_start3A_416 = tpu.memref_squeeze %dma_start3A_415 : memref<1x200x64xf32, #tpu.memory_space<vmem>> -> memref<200x64xf32, #tpu.memory_space<vmem>>
        %dma_start3A_417 = arith.constant 0 : i32
        %dma_start3A_418 = tpu.memref_slice %arg7[%add3A_411, %dma_start3A_417] : memref<128x200xi32, #tpu.memory_space<vmem>> -> memref<1x200xi32, #tpu.memory_space<vmem>>
        %dma_start3A_419 = tpu.memref_squeeze %dma_start3A_418 : memref<1x200xi32, #tpu.memory_space<vmem>> -> memref<200xi32, #tpu.memory_space<vmem>>
        %dma_start3A_420 = arith.constant 0 : i32
        %dma_start3A_421 = arith.constant 0 : i32
        %dma_start3A_422 = tpu.memref_slice %arg10[%dma_start3A_420, %dma_start3A_421] : memref<2049x64xf32, #tpu.memory_space<vmem_shared>> -> memref<2049x64xf32, #tpu.memory_space<vmem_shared>>
        tpu.enqueue_indirect_dma source(%dma_start3A_422 : memref<2049x64xf32, #tpu.memory_space<vmem_shared>>) target(%dma_start3A_416 : memref<200x64xf32, #tpu.memory_space<vmem>>) offsets(%dma_start3A_419 : memref<200xi32, #tpu.memory_space<vmem>>) semaphore(%arg12 : memref<!tpu.dma_semaphore, #tpu.memory_space<semaphore_mem>>)
      } else {
      }
      %add3A_327 = arith.constant 1 : i32
      %add3A_328 = arith.addi %mul3A_57, %add3A_327 : i32
      %mul3A_329 = arith.constant 128 : i32
      %mul3A_330 = arith.muli %add3A, %mul3A_329 : i32
      %add3A_331 = arith.addi %mul3A_330, %add3A_328 : i32
      %dma_wait3A_332 = arith.constant 1 : i32
      %dma_wait3A_333 = arith.constant 0 : i32
      %dma_wait3A_334 = arith.constant 0 : i32
      %dma_wait3A_335 = tpu.memref_slice %arg9[%dma_wait3A_332, %dma_wait3A_333, %dma_wait3A_334] : memref<4x200x64xf32, #tpu.memory_space<vmem>> -> memref<1x200x64xf32, #tpu.memory_space<vmem>>
      %dma_wait3A_336 = tpu.memref_squeeze %dma_wait3A_335 : memref<1x200x64xf32, #tpu.memory_space<vmem>> -> memref<200x64xf32, #tpu.memory_space<vmem>>
      %dma_wait3A_337 = arith.constant 0 : i32
      %dma_wait3A_338 = arith.constant 0 : i32
      %dma_wait3A_339 = tpu.memref_slice %arg6[%add3A_331, %dma_wait3A_337, %dma_wait3A_338] : memref<4096x200x64xf32, #tpu.memory_space<hbm>> -> memref<1x200x64xf32, #tpu.memory_space<hbm>>
      %dma_wait3A_340 = tpu.memref_squeeze %dma_wait3A_339 : memref<1x200x64xf32, #tpu.memory_space<hbm>> -> memref<200x64xf32, #tpu.memory_space<hbm>>
      %dma_wait3A_341 = arith.constant 0 : i32
      %dma_wait3A_342 = arith.constant 0 : i32
      %dma_wait3A_343 = tpu.memref_slice %arg6[%add3A_331, %dma_wait3A_341, %dma_wait3A_342] : memref<4096x200x64xf32, #tpu.memory_space<hbm>> -> memref<1x200x64xf32, #tpu.memory_space<hbm>>
      %dma_wait3A_344 = tpu.memref_squeeze %dma_wait3A_343 : memref<1x200x64xf32, #tpu.memory_space<hbm>> -> memref<200x64xf32, #tpu.memory_space<hbm>>
      %dma_wait3A_345 = arith.constant 0 : i32
      %dma_wait3A_346 = arith.constant 0 : i32
      %dma_wait3A_347 = tpu.memref_slice %arg9[%dma_wait3A_332, %dma_wait3A_345, %dma_wait3A_346] : memref<4x200x64xf32, #tpu.memory_space<vmem>> -> memref<1x200x64xf32, #tpu.memory_space<vmem>>
      %dma_wait3A_348 = tpu.memref_squeeze %dma_wait3A_347 : memref<1x200x64xf32, #tpu.memory_space<vmem>> -> memref<200x64xf32, #tpu.memory_space<vmem>>
      tpu.wait_dma2 semaphore(%arg13 : memref<!tpu.dma_semaphore, #tpu.memory_space<semaphore_mem>>) src(%dma_wait3A_348 : memref<200x64xf32, #tpu.memory_space<vmem>>) dst(%dma_wait3A_344 : memref<200x64xf32, #tpu.memory_space<hbm>>)
      %lt3A_349 = arith.constant 31 : i32
      %lt3A_350 = arith.cmpi slt, %scan3A_55, %lt3A_349 : i32
      %convert_element_type3A_351 = arith.extui %lt3A_350 : i1 to i32
      %cond3A_352 = arith.constant 0 : i32
      %cond3A_353 = arith.cmpi ne, %convert_element_type3A_351, %cond3A_352 : i32
      scf.if %cond3A_353 {
        %add3A_408 = arith.constant 4 : i32
        %add3A_409 = arith.addi %mul3A_57, %add3A_408 : i32
        %add3A_410 = arith.constant 1 : i32
        %add3A_411 = arith.addi %add3A_409, %add3A_410 : i32
        %dma_start3A_412 = arith.constant 1 : i32
        %dma_start3A_413 = arith.constant 0 : i32
        %dma_start3A_414 = arith.constant 0 : i32
        %dma_start3A_415 = tpu.memref_slice %arg9[%dma_start3A_412, %dma_start3A_413, %dma_start3A_414] : memref<4x200x64xf32, #tpu.memory_space<vmem>> -> memref<1x200x64xf32, #tpu.memory_space<vmem>>
        %dma_start3A_416 = tpu.memref_squeeze %dma_start3A_415 : memref<1x200x64xf32, #tpu.memory_space<vmem>> -> memref<200x64xf32, #tpu.memory_space<vmem>>
        %dma_start3A_417 = arith.constant 0 : i32
        %dma_start3A_418 = tpu.memref_slice %arg7[%add3A_411, %dma_start3A_417] : memref<128x200xi32, #tpu.memory_space<vmem>> -> memref<1x200xi32, #tpu.memory_space<vmem>>
        %dma_start3A_419 = tpu.memref_squeeze %dma_start3A_418 : memref<1x200xi32, #tpu.memory_space<vmem>> -> memref<200xi32, #tpu.memory_space<vmem>>
        %dma_start3A_420 = arith.constant 0 : i32
        %dma_start3A_421 = arith.constant 0 : i32
        %dma_start3A_422 = tpu.memref_slice %arg10[%dma_start3A_420, %dma_start3A_421] : memref<2049x64xf32, #tpu.memory_space<vmem_shared>> -> memref<2049x64xf32, #tpu.memory_space<vmem_shared>>
        tpu.enqueue_indirect_dma source(%dma_start3A_422 : memref<2049x64xf32, #tpu.memory_space<vmem_shared>>) target(%dma_start3A_416 : memref<200x64xf32, #tpu.memory_space<vmem>>) offsets(%dma_start3A_419 : memref<200xi32, #tpu.memory_space<vmem>>) semaphore(%arg13 : memref<!tpu.dma_semaphore, #tpu.memory_space<semaphore_mem>>)
      } else {
      }
      %add3A_354 = arith.constant 2 : i32
      %add3A_355 = arith.addi %mul3A_57, %add3A_354 : i32
      %mul3A_356 = arith.constant 128 : i32
      %mul3A_357 = arith.muli %add3A, %mul3A_356 : i32
      %add3A_358 = arith.addi %mul3A_357, %add3A_355 : i32
      %dma_wait3A_359 = arith.constant 2 : i32
      %dma_wait3A_360 = arith.constant 0 : i32
      %dma_wait3A_361 = arith.constant 0 : i32
      %dma_wait3A_362 = tpu.memref_slice %arg9[%dma_wait3A_359, %dma_wait3A_360, %dma_wait3A_361] : memref<4x200x64xf32, #tpu.memory_space<vmem>> -> memref<1x200x64xf32, #tpu.memory_space<vmem>>
      %dma_wait3A_363 = tpu.memref_squeeze %dma_wait3A_362 : memref<1x200x64xf32, #tpu.memory_space<vmem>> -> memref<200x64xf32, #tpu.memory_space<vmem>>
      %dma_wait3A_364 = arith.constant 0 : i32
      %dma_wait3A_365 = arith.constant 0 : i32
      %dma_wait3A_366 = tpu.memref_slice %arg6[%add3A_358, %dma_wait3A_364, %dma_wait3A_365] : memref<4096x200x64xf32, #tpu.memory_space<hbm>> -> memref<1x200x64xf32, #tpu.memory_space<hbm>>
      %dma_wait3A_367 = tpu.memref_squeeze %dma_wait3A_366 : memref<1x200x64xf32, #tpu.memory_space<hbm>> -> memref<200x64xf32, #tpu.memory_space<hbm>>
      %dma_wait3A_368 = arith.constant 0 : i32
      %dma_wait3A_369 = arith.constant 0 : i32
      %dma_wait3A_370 = tpu.memref_slice %arg6[%add3A_358, %dma_wait3A_368, %dma_wait3A_369] : memref<4096x200x64xf32, #tpu.memory_space<hbm>> -> memref<1x200x64xf32, #tpu.memory_space<hbm>>
      %dma_wait3A_371 = tpu.memref_squeeze %dma_wait3A_370 : memref<1x200x64xf32, #tpu.memory_space<hbm>> -> memref<200x64xf32, #tpu.memory_space<hbm>>
      %dma_wait3A_372 = arith.constant 0 : i32
      %dma_wait3A_373 = arith.constant 0 : i32
      %dma_wait3A_374 = tpu.memref_slice %arg9[%dma_wait3A_359, %dma_wait3A_372, %dma_wait3A_373] : memref<4x200x64xf32, #tpu.memory_space<vmem>> -> memref<1x200x64xf32, #tpu.memory_space<vmem>>
      %dma_wait3A_375 = tpu.memref_squeeze %dma_wait3A_374 : memref<1x200x64xf32, #tpu.memory_space<vmem>> -> memref<200x64xf32, #tpu.memory_space<vmem>>
      tpu.wait_dma2 semaphore(%arg14 : memref<!tpu.dma_semaphore, #tpu.memory_space<semaphore_mem>>) src(%dma_wait3A_375 : memref<200x64xf32, #tpu.memory_space<vmem>>) dst(%dma_wait3A_371 : memref<200x64xf32, #tpu.memory_space<hbm>>)
      %lt3A_376 = arith.constant 31 : i32
      %lt3A_377 = arith.cmpi slt, %scan3A_55, %lt3A_376 : i32
      %convert_element_type3A_378 = arith.extui %lt3A_377 : i1 to i32
      %cond3A_379 = arith.constant 0 : i32
      %cond3A_380 = arith.cmpi ne, %convert_element_type3A_378, %cond3A_379 : i32
      scf.if %cond3A_380 {
        %add3A_408 = arith.constant 4 : i32
        %add3A_409 = arith.addi %mul3A_57, %add3A_408 : i32
        %add3A_410 = arith.constant 2 : i32
        %add3A_411 = arith.addi %add3A_409, %add3A_410 : i32
        %dma_start3A_412 = arith.constant 2 : i32
        %dma_start3A_413 = arith.constant 0 : i32
        %dma_start3A_414 = arith.constant 0 : i32
        %dma_start3A_415 = tpu.memref_slice %arg9[%dma_start3A_412, %dma_start3A_413, %dma_start3A_414] : memref<4x200x64xf32, #tpu.memory_space<vmem>> -> memref<1x200x64xf32, #tpu.memory_space<vmem>>
        %dma_start3A_416 = tpu.memref_squeeze %dma_start3A_415 : memref<1x200x64xf32, #tpu.memory_space<vmem>> -> memref<200x64xf32, #tpu.memory_space<vmem>>
        %dma_start3A_417 = arith.constant 0 : i32
        %dma_start3A_418 = tpu.memref_slice %arg7[%add3A_411, %dma_start3A_417] : memref<128x200xi32, #tpu.memory_space<vmem>> -> memref<1x200xi32, #tpu.memory_space<vmem>>
        %dma_start3A_419 = tpu.memref_squeeze %dma_start3A_418 : memref<1x200xi32, #tpu.memory_space<vmem>> -> memref<200xi32, #tpu.memory_space<vmem>>
        %dma_start3A_420 = arith.constant 0 : i32
        %dma_start3A_421 = arith.constant 0 : i32
        %dma_start3A_422 = tpu.memref_slice %arg10[%dma_start3A_420, %dma_start3A_421] : memref<2049x64xf32, #tpu.memory_space<vmem_shared>> -> memref<2049x64xf32, #tpu.memory_space<vmem_shared>>
        tpu.enqueue_indirect_dma source(%dma_start3A_422 : memref<2049x64xf32, #tpu.memory_space<vmem_shared>>) target(%dma_start3A_416 : memref<200x64xf32, #tpu.memory_space<vmem>>) offsets(%dma_start3A_419 : memref<200xi32, #tpu.memory_space<vmem>>) semaphore(%arg14 : memref<!tpu.dma_semaphore, #tpu.memory_space<semaphore_mem>>)
      } else {
      }
      %add3A_381 = arith.constant 3 : i32
      %add3A_382 = arith.addi %mul3A_57, %add3A_381 : i32
      %mul3A_383 = arith.constant 128 : i32
      %mul3A_384 = arith.muli %add3A, %mul3A_383 : i32
      %add3A_385 = arith.addi %mul3A_384, %add3A_382 : i32
      %dma_wait3A_386 = arith.constant 3 : i32
      %dma_wait3A_387 = arith.constant 0 : i32
      %dma_wait3A_388 = arith.constant 0 : i32
      %dma_wait3A_389 = tpu.memref_slice %arg9[%dma_wait3A_386, %dma_wait3A_387, %dma_wait3A_388] : memref<4x200x64xf32, #tpu.memory_space<vmem>> -> memref<1x200x64xf32, #tpu.memory_space<vmem>>
      %dma_wait3A_390 = tpu.memref_squeeze %dma_wait3A_389 : memref<1x200x64xf32, #tpu.memory_space<vmem>> -> memref<200x64xf32, #tpu.memory_space<vmem>>
      %dma_wait3A_391 = arith.constant 0 : i32
      %dma_wait3A_392 = arith.constant 0 : i32
      %dma_wait3A_393 = tpu.memref_slice %arg6[%add3A_385, %dma_wait3A_391, %dma_wait3A_392] : memref<4096x200x64xf32, #tpu.memory_space<hbm>> -> memref<1x200x64xf32, #tpu.memory_space<hbm>>
      %dma_wait3A_394 = tpu.memref_squeeze %dma_wait3A_393 : memref<1x200x64xf32, #tpu.memory_space<hbm>> -> memref<200x64xf32, #tpu.memory_space<hbm>>
      %dma_wait3A_395 = arith.constant 0 : i32
      %dma_wait3A_396 = arith.constant 0 : i32
      %dma_wait3A_397 = tpu.memref_slice %arg6[%add3A_385, %dma_wait3A_395, %dma_wait3A_396] : memref<4096x200x64xf32, #tpu.memory_space<hbm>> -> memref<1x200x64xf32, #tpu.memory_space<hbm>>
      %dma_wait3A_398 = tpu.memref_squeeze %dma_wait3A_397 : memref<1x200x64xf32, #tpu.memory_space<hbm>> -> memref<200x64xf32, #tpu.memory_space<hbm>>
      %dma_wait3A_399 = arith.constant 0 : i32
      %dma_wait3A_400 = arith.constant 0 : i32
      %dma_wait3A_401 = tpu.memref_slice %arg9[%dma_wait3A_386, %dma_wait3A_399, %dma_wait3A_400] : memref<4x200x64xf32, #tpu.memory_space<vmem>> -> memref<1x200x64xf32, #tpu.memory_space<vmem>>
      %dma_wait3A_402 = tpu.memref_squeeze %dma_wait3A_401 : memref<1x200x64xf32, #tpu.memory_space<vmem>> -> memref<200x64xf32, #tpu.memory_space<vmem>>
      tpu.wait_dma2 semaphore(%arg15 : memref<!tpu.dma_semaphore, #tpu.memory_space<semaphore_mem>>) src(%dma_wait3A_402 : memref<200x64xf32, #tpu.memory_space<vmem>>) dst(%dma_wait3A_398 : memref<200x64xf32, #tpu.memory_space<hbm>>)
      %lt3A_403 = arith.constant 31 : i32
      %lt3A_404 = arith.cmpi slt, %scan3A_55, %lt3A_403 : i32
      %convert_element_type3A_405 = arith.extui %lt3A_404 : i1 to i32
      %cond3A_406 = arith.constant 0 : i32
      %cond3A_407 = arith.cmpi ne, %convert_element_type3A_405, %cond3A_406 : i32
      scf.if %cond3A_407 {
        %add3A_408 = arith.constant 4 : i32
        %add3A_409 = arith.addi %mul3A_57, %add3A_408 : i32
        %add3A_410 = arith.constant 3 : i32
        %add3A_411 = arith.addi %add3A_409, %add3A_410 : i32
        %dma_start3A_412 = arith.constant 3 : i32
        %dma_start3A_413 = arith.constant 0 : i32
        %dma_start3A_414 = arith.constant 0 : i32
        %dma_start3A_415 = tpu.memref_slice %arg9[%dma_start3A_412, %dma_start3A_413, %dma_start3A_414] : memref<4x200x64xf32, #tpu.memory_space<vmem>> -> memref<1x200x64xf32, #tpu.memory_space<vmem>>
        %dma_start3A_416 = tpu.memref_squeeze %dma_start3A_415 : memref<1x200x64xf32, #tpu.memory_space<vmem>> -> memref<200x64xf32, #tpu.memory_space<vmem>>
        %dma_start3A_417 = arith.constant 0 : i32
        %dma_start3A_418 = tpu.memref_slice %arg7[%add3A_411, %dma_start3A_417] : memref<128x200xi32, #tpu.memory_space<vmem>> -> memref<1x200xi32, #tpu.memory_space<vmem>>
        %dma_start3A_419 = tpu.memref_squeeze %dma_start3A_418 : memref<1x200xi32, #tpu.memory_space<vmem>> -> memref<200xi32, #tpu.memory_space<vmem>>
        %dma_start3A_420 = arith.constant 0 : i32
        %dma_start3A_421 = arith.constant 0 : i32
        %dma_start3A_422 = tpu.memref_slice %arg10[%dma_start3A_420, %dma_start3A_421] : memref<2049x64xf32, #tpu.memory_space<vmem_shared>> -> memref<2049x64xf32, #tpu.memory_space<vmem_shared>>
        tpu.enqueue_indirect_dma source(%dma_start3A_422 : memref<2049x64xf32, #tpu.memory_space<vmem_shared>>) target(%dma_start3A_416 : memref<200x64xf32, #tpu.memory_space<vmem>>) offsets(%dma_start3A_419 : memref<200xi32, #tpu.memory_space<vmem>>) semaphore(%arg15 : memref<!tpu.dma_semaphore, #tpu.memory_space<semaphore_mem>>)
      } else {
      }
    }
    %scan3A_54 = arith.constant 32 : i32
    return
  }
}

</mosaic_0001>

<sc_bundles>
// kernel: kernel.3.cloned.1.call-start
scs
__scs_entry_jumppad:
0x0: {  	(pc) =	sbr.rel $0x88, $3  }
0x1: {  	(tag) =	ssettag $0x0;
	lr =	simm.s32 $0x1  }
0x2: {  	[smem:$0x3F9D] =	sst lr;
	_ =	strace $0xD0000000  }
0x3: {  	_ = 	snop  }
0x4: {  	_ = 	snop  }
0x5: {  	_ = 	snop  }
0x6: {  	_ = 	snop  }
0x7: {  	_ = 	snop  }
__scs_overlays_trampoline_lowered:
0x8: {  	[smem:$0x3FAC] =	sst s0  }
0x9: {  	[smem:$0x3FAD] =	sst s1  }
0xa: {  	[smem:$0x3FAE] =	sst s2  }
0xb: {  	[smem:$0x3FAF] =	sst s3  }
0xc: {  	[smem:$0x3FB0] =	sst s4  }
0xd: {  	[smem:$0x3FB1] =	sst s5  }
0xe: {  	[smem:$0x3FB2] =	sst s6  }
0xf: {  	[smem:$0x3FB3] =	sst s7  }
0x10: {  	[smem:$0x3FB4] =	sst s8  }
0x11: {  	[smem:$0x3FB5] =	sst s9;
	s0 =	simm.s32 @!p0 $0x0  }
0x12: {  	s1 =	sld [smem:$0x3F9B];
	s0 =	simm.s32 @p0 $0x1  }
0x13: {  	[smem:$0x3FB6] =	sst s0;
	s0 =	simm.s32 @!p1 $0x0  }
0x14: {  	s2 =	sld [smem:$0x3F9A];
	s0 =	simm.s32 @p1 $0x1  }
0x15: {  	[smem:$0x3FB7] =	sst s0;
	s0 =	simm.s32 @!p2 $0x0  }
0x16: {  	s3 =	sld [smem:$0x3FDB];
	s0 =	simm.s32 @p2 $0x1  }
0x17: {  	s4 =	simm.s32 $0x1BF5;
	[smem:$0x3FB9] =	sst s0  }
0x18: {  	s0 =	sld [smem:$0x3F9C];
	_ =	swait.ge [sflag:s4], $0x0  }
0x19: {  	s7 =	sld [smem:$0x3F9D]  }
0x1a: {  	s8 =	sadd.s32 $0xFFFFE003, lr  }
0x1b: {  	s9 =	sadd.s32 $0xFFFFFEF7, lr;
	s5 =	simm.s32 $0xFFFFFFFF;
	p2 =	slt.u32 s8, $0xFFFFF086  }
0x1c: {  	p1 =	slt.u32 s9, $0xF7A;
	s5 =	simm.s32 @!p2 $0x0  }
0x1d: {  	s5 =	simm.s32 @p1 $0x1;
	p0 =	seq.s32 s7, s2  }
0x1e: {  	s7 =	smul.u32 @!p0 $0xF7A, s2;
	p2 =	seq.s32 @!p0 s5, $0x0  }
0x1f: {  	s9 =	smul.u32 $0xF7A, s1;
	s8 =	simm.s32 @!p0 $0x1BF5;
	p2 =	por !p2, p0  }
0x20: {  	[sflag:s8] =	ssyncset.s32 @!p0 $0xFFFFF086;
	s6 =	sadd.s32 @!p0 s3, s7;
	s7 =	simm.s32 @!p0 $0x108  }
0x21: {  	s3 =	sadd.s32 s3, s9;
	s6 =	sadd.s32 @!p0 $0x88, s6;
	s7 =	simm.s32 @p2 $0x1082  }
0x22: {  	[simem:s7], [sflag:s8] =	dma.local @!p0 [hbm:s6], $0xF7A  }
0x23: {  	s9 =	sor.u32 $0xD0000000, s2;
	s6 =	simm.s32 $0x108;
	_ =	swait.ge @!p0 [sflag:s8], $0x0  }
0x24: {  	s3 =	sadd.s32 $0x88, s3;
	s6 =	simm.s32 @!p1 $0x1082;
	[sflag:s4] =	ssyncset.s32 $0xFFFFF086  }
0x25: {  	[simem:s6], [sflag:s4] =	dma.local [hbm:s3], $0xF7A  }
0x26: {  	[smem:$0x3F9D] =	sst s1;
	(tag) =	ssettag s2;
	_ =	strace s9  }
0x27: {  	s1 =	sld [smem:$0x3FAD]  }
0x28: {  	s2 =	sld [smem:$0x3FAE]  }
0x29: {  	s4 =	sld [smem:$0x3FB0]  }
0x2a: {  	p0 =	seq.s32 s5, $0x0;
	s5 =	sld [smem:$0x3FB1]  }
0x2b: {  	s6 =	sld [smem:$0x3FB2]  }
0x2c: {  	s7 =	sld [smem:$0x3FB3]  }
0x2d: {  	s3 =	simm.s32 $0x108;
	s8 =	sld [smem:$0x3FB4]  }
0x2e: {  	s3 =	simm.s32 @!p0 $0x1082;
	s9 =	sld [smem:$0x3FB5]  }
0x2f: {  	lr =	sadd.s32 s0, s3;
	s0 =	sld [smem:$0x3FAC]  }
0x30: {  	s3 =	sld [smem:$0x3FAF]  }
0x31: {  	[smem:$0x3FB8] =	sst s10  }
0x32: {  	s10 =	sld [smem:$0x3FB6];
	_ =	sdelay $0x3  }
0x33: {  	p0 =	seq.s32 s10, $0x1;
	s10 =	sld [smem:$0x3FB8];
	_ =	sdelay $0x3  }
0x34: {  	[smem:$0x3FB8] =	sst s10  }
0x35: {  	s10 =	sld [smem:$0x3FB7];
	_ =	sdelay $0x3  }
0x36: {  	p1 =	seq.s32 s10, $0x1;
	s10 =	sld [smem:$0x3FB8];
	_ =	sdelay $0x3  }
0x37: {  	[smem:$0x3FB8] =	sst s10  }
0x38: {  	s10 =	sld [smem:$0x3FB9]  }
0x39: {  	_ = 	snop;
	(pc) =	sbr.ind lr, $3  }
0x3a: {  	_ = 	snop  }
0x3b: {  	_ = 	snop  }
0x3c: {  	p2 =	seq.s32 s10, $0x1;
	s10 =	sld [smem:$0x3FB8]  }
0x3d: {  	_ =	shalt  }
0x3e: {  	_ =	shalt  }
0x3f: {  	_ =	shalt  }
0x40: {  	_ =	shalt  }
0x41: {  	_ =	shalt  }
0x42: {  	_ =	shalt  }
0x43: {  	_ =	shalt  }
0x44: {  	_ =	shalt  }
0x45: {  	_ =	shalt  }
0x46: {  	_ =	shalt  }
0x47: {  	_ =	shalt  }
0x48: {  	_ =	shalt  }
0x49: {  	_ =	shalt  }
0x4a: {  	_ =	shalt  }
0x4b: {  	_ =	shalt  }
0x4c: {  	_ =	shalt  }
0x4d: {  	_ =	shalt  }
0x4e: {  	_ =	shalt  }
0x4f: {  	_ =	shalt  }
0x50: {  	_ =	shalt  }
0x51: {  	_ =	shalt  }
0x52: {  	_ =	shalt  }
0x53: {  	_ =	shalt  }
0x54: {  	_ =	shalt  }
0x55: {  	_ =	shalt  }
0x56: {  	_ =	shalt  }
0x57: {  	_ =	shalt  }
0x58: {  	_ =	shalt  }
0x59: {  	_ =	shalt  }
0x5a: {  	_ =	shalt  }
0x5b: {  	_ =	shalt  }
0x5c: {  	_ =	shalt  }
0x5d: {  	_ =	shalt  }
0x5e: {  	_ =	shalt  }
0x5f: {  	_ =	shalt  }
0x60: {  	_ =	shalt  }
0x61: {  	_ =	shalt  }
0x62: {  	_ =	shalt  }
0x63: {  	_ =	shalt  }
0x64: {  	_ =	shalt  }
0x65: {  	_ =	shalt  }
0x66: {  	_ =	shalt  }
0x67: {  	_ =	shalt  }
0x68: {  	_ =	shalt  }
0x69: {  	_ =	shalt  }
0x6a: {  	_ =	shalt  }
0x6b: {  	_ =	shalt  }
0x6c: {  	_ =	shalt  }
0x6d: {  	_ =	shalt  }
0x6e: {  	_ =	shalt  }
0x6f: {  	_ =	shalt  }
0x70: {  	_ =	shalt  }
0x71: {  	_ =	shalt  }
0x72: {  	_ =	shalt  }
0x73: {  	_ =	shalt  }
0x74: {  	_ =	shalt  }
0x75: {  	_ =	shalt  }
0x76: {  	_ =	shalt  }
0x77: {  	_ =	shalt  }
0x78: {  	_ =	shalt  }
0x79: {  	_ =	shalt  }
0x7a: {  	_ =	shalt  }
0x7b: {  	_ =	shalt  }
0x7c: {  	_ =	shalt  }
0x7d: {  	_ =	shalt  }
0x7e: {  	_ =	shalt  }
0x7f: {  	_ =	shalt  }
0x80: {  	_ =	shalt  }
0x81: {  	_ =	shalt  }
0x82: {  	_ =	shalt  }
0x83: {  	_ =	shalt  }
0x84: {  	_ =	shalt  }
0x85: {  	_ =	shalt  }
0x86: {  	_ =	shalt  }
0x87: {  	_ =	shalt  }
.Lfunc_end0:
.L_simem_size_0:
called_computation.1_lowered:
.L_overlay_start_0:
0x88: {  	s2 =	sld [smem:$0x3FD9]  }
0x89: {  	s3 =	sld [smem:$0x3FFE];
	_ =	sdelay $0x1  }
0x8a: {  	s1 =	srdreg.scid  }
0x8b: {  	s0 =	sand.u32 $0x1, s1  }
0x8c: {  	s17 =	sshll.u32 s0, $0xA;
	s2 =	sadd.s32 s3, s2  }
0x8d: {  	s2 =	sadd.s32 s2, s17  }
0x8e: {  	[smem:$0x3FC4] =	sst s2  }
0x8f: {  	_ = 	snop  }
0x90: {  	s2 =	sld [smem:$0x3FD0];
	(tm) =	ssettm $0x1  }
0x91: {  	s18 =	sld [smem:$0x3FFB];
	_ =	sdelay $0x3  }
0x92: {  	_ =	strace s18  }
0x93: {  	s3 =	sld [smem:$0x3FFC];
	_ =	sdelay $0x3  }
0x94: {  	_ =	strace s3  }
0x95: {  	s3 =	sld [smem:$0x3FFD];
	_ =	sdelay $0x3  }
0x96: {  	_ =	strace s3  }
0x97: {  	_ =	strace $0x8FFFFFFF  }
0x98: {  	s19 =	sld [smem:$0x3FDB];
	_ =	sdelay $0x1  }
0x99: {  	s4 =	simm.s32 $_scs_section_size  }
0x9a: {  	s5 =	simm.s32 $_size__tile_overlayer_lowered;
	s6 =	simm.s32 $_tile_overlayer_lowered  }
0x9b: {  	s22 =	simm.s32 $0x1BFF;
	s21 =	sshll.u32 s6, $0x1;
	s3 =	sadd.s32 s4, s19  }
0x9c: {  	s7 =	simm.s32 $0x0;
	s20 =	sshll.u32 s5, $0x1;
	s5 =	sadd.s32 s21, s3  }
0x9d: {  	[timem:s7], [sflag:s22] =	dma.local [hbm:s5], s20  }
0x9e: {  	_ =	swait.ge [sflag:s22], s20  }
0x9f: {  	s4 =	ssub.s32 $0x0, s20;
	[sflag:s22] =	ssyncset.done $0x0  }
0xa0: {  	[sflag:s22] =	ssyncadd.s32 s4;
	_ =	sdelay $0x1  }
0xa1: {  	s23 =	simm.s32 $0x1B8B  }
0xa2: {  	_ =	swait.ge [sflag:s23], $0x1  }
0xa3: {  	[sflag:s23] =	ssyncset.done $0x0  }
0xa4: {  	s25 =	simm.s32 $0x1B8E;
	s24 =	sld [smem:$0x3FFE];
	[sflag:s23] =	ssyncadd.s32 $0xFFFFFFFF  }
0xa5: {  	s26 =	simm.s32 $execute0_lowered;
	[smem:$0x3FD2] =	sst s25  }
0xa6: {  	s5 =	sshll.u32 s26, $0x1;
	_ =	strace $0x80000046;
	[dreg:$0x1] =	wrdreg $0xFFFFFFFF  }
0xa7: {  	s28 =	simm.s32 $_size_execute0_lowered;
	s3 =	sadd.s32 s3, s5;
	[dreg:$0x0] =	wrdreg $0x0  }
0xa8: {  	s5 =	sshll.u32 s28, $0x1;
	[dreg:$0x2] =	wrdreg s3  }
0xa9: {  	[dreg:$0x3] =	wrdreg s5  }
0xaa: {  	[dreg:$0x4] =	wrdreg $0xC0  }
0xab: {  	_ =	task [dreg:s7], $0x5FFFF  }
0xac: {  	[dreg:$0x1] =	wrdreg $0xFFFFFFFF  }
0xad: {  	[dreg:$0x0] =	wrdreg $0x60  }
0xae: {  	[dreg:$0x2] =	wrdreg s24  }
0xaf: {  	[dreg:$0x3] =	wrdreg s2  }
0xb0: {  	[dreg:$0x4] =	wrdreg $0x190000  }
0xb1: {  	[dreg:$0x5] =	wrdreg $0x1B0080  }
0xb2: {  	[dreg:$0x6] =	wrdreg $0x9  }
0xb3: {  	_ =	task.clear_ibuf [dreg:s7], $0x7FFFF;
	_ =	strace $0x90000046  }
0xb4: {  	s29 =	simm.s32 $0x9;
	_ =	strace $0x80000048  }
0xb5: {  	_ =	swait.ge [sflag:s29], $0x1  }
0xb6: {  	[sflag:s29] =	ssyncadd.s32 $0xFFFFFFFF  }
0xb7: {  	_ =	strace $0x90000048  }
0xb8: {  	_ =	sfence  }
0xb9: {  	s30 =	sld [smem:$0x0];
	_ =	sdelay $0x2  }
0xba: {  	s31 =	sshll.u32 s1, $0xD;
	s1 =	sshrl.u32 s1, $0x2  }
0xbb: {  	s3 =	sand.u32 $0x4000, s31;
	s1 =	sadd.s32 s1, s30  }
0xbc: {  	s0 =	sor.u32 s3, s0;
	s1 =	sshll.u32 s1, $0x11  }
0xbd: {  	s0 =	sor.u32 s1, s0  }
0xbe: {  	s0 =	sadd.s32 $0x8F2B, s0  }
0xbf: {  	[sflag:s0] =	ssyncadd.remote.s32 $0x1  }
0xc0: {  	_ =	sfence.sel $0xFFFF  }
0xc1: {  	[dreg:$0x0] =	wrdreg $0xFFFFFFFF;
	(pc) =	sbr.abs _section_cstart, $3  }
0xc2: {  	[dreg:$0x1] =	wrdreg $0xFFFFFFFF  }
0xc3: {  	_ =	task.clear_ibuf [dreg:s7], $0x2FFFF;
	_ =	strace $0x9FFFFFFF  }
0xc4: {  	(tm) =	ssettm $0x7FFFFFFF  }
0xc5: {  	_ =	shalt  }
tec
execute0_lowered:
.L_overlay_start_1:
0x0: {  	(tag) =	ssettag $0x1  }
0x1: {  	s6 =	rddreg [dreg:$0x0]  }
0x2: {  	s8 =	rddreg [dreg:$0x1]  }
0x3: {  	s1 =	rddreg [dreg:$0x2]  }
0x4: {  	s2 =	rddreg [dreg:$0x3]  }
0x5: {  	s0 =	rddreg [dreg:$0x4];
	s4 =	srdreg.scid  }
0x6: {  	s9 =	stileid.u32;
	s3 =	simm.s32 $0x0;
	s14 =	simm.s32 $0xC8  }
0x7: {  	s15 =	simm.s32 $0xC800;
	s16 =	simm.s32 $0xFA00;
	s17 =	simm.s32 $0x190  }
0x8: {  	s18 =	simm.s32 $0x12C00;
	s19 =	simm.s32 $0x258;
	s20 =	simm.s32 $0x15E00  }
0x9: {  	s21 =	simm.s32 $0x1;
	s22 =	simm.s32 $0x2;
	s23 =	simm.s32 $0x3  }
0xa: {  	s24 =	simm.s32 $0x4;
	s25 =	simm.s32 $0x0;
	s7 =	sand.u32 $0x1, s4  }
0xb: {  	s29 =	sshll.u32 s9, $0x1;
	[smem:$0x7FF] =	sst s3;
	s12 =	smul.u32 $0x64000, s9  }
0xc: {  	s5 =	sadd.s32 $0x5000, s6;
	s4 =	sor.u32 s7, s29;
	s13 =	smul.u32 $0x32000, s7  }
0xd: {  	p0 =	sne.s32 s9, $0x0;
	_ =	strace $0x80000047;
	s10 =	smul.u32 $0xC80, s4  }
.Ltmp0:
0xe: {  	s11 =	ssub.s32 $0x2, s7;
	s4 =	sadd.s32 $0xE00, s6;
	(pc) =	sbr.rel .LBB2_1-.Ltmp0, $4  }
0xf: {  	s30 =	sshrl.u32 s11, $0x1;
	s31 =	sadd.s32 s12, s8;
	s12 =	simm.s32 $0x5  }
0x10: {  	s11 =	ssub.s32 s11, s30;
	s9 =	sadd.s32 s13, s31;
	s13 =	simm.s32 $0x6400  }
0x11: {  	s10 =	sadd.s32 s10, s6;
	s8 =	smax.u32 s11, $0x1;
	s11 =	sshrl.u32 @!p0 s2, $0x3  }
0x12: {  	s6 =	sadd.s32 $0x9200, s10;
	s7 =	sadd.s32 $0x22200, s10;
	s10 =	sshrl.u32 @!p0 s1, $0x3  }
.LBB2_4:
0x13: {  	_ =	swait.ge [sflag:s22], $0x3200  }
0x14: {  	[sflag:s22] =	ssyncset.done $0x0  }
0x15: {  	s25 =	sadd.s32 $0x1, s25;
	[sflag:s22] =	ssyncadd.s32 $0xFFFFCE00  }
0x16: {  	p1 =	sne.s32 s25, s8;
	_ =	swait.ge [sflag:s23], $0x3200  }
.Ltmp1:
0x17: {  	[sflag:s23] =	ssyncset.done $0x0;
	(pc) =	sbr.rel @!p1 .LBB2_5-.Ltmp1, $4  }
0x18: {  	[sflag:s23] =	ssyncadd.s32 $0xFFFFCE00  }
0x19: {  	_ =	swait.ge [sflag:s24], $0x3200  }
0x1a: {  	[sflag:s24] =	ssyncset.done $0x0  }
0x1b: {  	[sflag:s24] =	ssyncadd.s32 $0xFFFFCE00  }
.LBB2_1:
0x1c: {  	s26 =	simm.s32 @!p0 $0x1C05;
	s28 =	simm.s32 @!p0 $0x5  }
0x1d: {  	[spmem:s10], [sflag:s26] =	dma.local @!p0 [hbm:s4], $0x4008  }
0x1e: {  	_ =	swait.ge @!p0 [sflag:s28], $0x4008  }
0x1f: {  	[sflag:s28] =	ssyncset.done @!p0 $0x0  }
0x20: {  	[sflag:s28] =	ssyncadd.s32 @!p0 $0xFFFFBFF8  }
0x21: {  	[spmem:s11], [sflag:s26] =	dma.local @!p0 [hbm:s5], $0x4008  }
0x22: {  	_ =	swait.ge @!p0 [sflag:s28], $0x4008  }
0x23: {  	[sflag:s28] =	ssyncset.done @!p0 $0x0  }
0x24: {  	[sflag:s28] =	ssyncadd.s32 @!p0 $0xFFFFBFF8  }
0x25: {  	[tilespmem:s3], [sflag:$0x5] =	stream.linear.gather [hbm4b:s6+s3], $0x6400, $0x38;
	[tilespmem:$0x1D010] =	vst v63  }
0x26: {  	_ =	swait.ge [sflag:s12], $0x6400  }
0x27: {  	[sflag:s12] =	ssyncset.done $0x0  }
0x28: {  	[sflag:s12] =	ssyncadd.s32 $0xFFFF9C00  }
0x29: {  	[tilespmem:s13], [sflag:$0x5] =	stream.linear.gather [hbm4b:s7+s3], $0x6400, $0x38;
	[tilespmem:$0x1D010] =	vst v63  }
0x2a: {  	_ =	swait.ge [sflag:s12], $0x6400  }
0x2b: {  	[sflag:s12] =	ssyncset.done $0x0  }
0x2c: {  	[sflag:s12] =	ssyncadd.s32 $0xFFFF9C00  }
0x2d: {  	[bflag:$0x0] =	sbarrier.arrive $0xFFFF  }
0x2e: {  	[tilespmem:s15], [sflag:$0x1] =	stream.indirect.gather [spmem:s1], $0x40, s3, s14, $0xb8;
	[tilespmem:$0x1D010] =	vst v63  }
0x2f: {  	_ = 	snop  }
0x30: {  	[tilespmem:s16], [sflag:$0x2] =	stream.indirect.gather [spmem:s1], $0x40, s14, s14, $0xb8;
	[tilespmem:$0x1D010] =	vst v63  }
0x31: {  	_ = 	snop  }
0x32: {  	[tilespmem:s18], [sflag:$0x3] =	stream.indirect.gather [spmem:s1], $0x40, s17, s14, $0xb8;
	[tilespmem:$0x1D010] =	vst v63  }
0x33: {  	s26 =	smov.u32 s9;
	s28 =	simm.s32 $0x0  }
0x34: {  	[tilespmem:s20], [sflag:$0x4] =	stream.indirect.gather [spmem:s1], $0x40, s19, s14, $0xb8;
	[tilespmem:$0x1D010] =	vst v63  }
.LBB2_2:
0x35: {  	_ =	swait.ge [sflag:s21], $0x3200  }
0x36: {  	s29 =	sshra.s32 s28, $0x2;
	[sflag:s21] =	ssyncset.done $0x0  }
0x37: {  	s30 =	sadd.s32 $0x6400, s29;
	[sflag:s21] =	ssyncadd.s32 $0xFFFFCE00  }
0x38: {  	[tilespmem:s15], [sflag:$0x1] =	stream.indirect.gather.add.f32 [spmem:s2], $0x40, s30, s14, $0xb8;
	[tilespmem:$0x1D010] =	vst v63  }
0x39: {  	_ =	swait.ge [sflag:s22], $0x3200  }
0x3a: {  	[sflag:s22] =	ssyncset.done $0x0  }
0x3b: {  	s31 =	sadd.s32 $0x64C8, s29;
	[sflag:s22] =	ssyncadd.s32 $0xFFFFCE00  }
0x3c: {  	[tilespmem:s16], [sflag:$0x2] =	stream.indirect.gather.add.f32 [spmem:s2], $0x40, s31, s14, $0xb8;
	[tilespmem:$0x1D010] =	vst v63  }
0x3d: {  	_ =	swait.ge [sflag:s23], $0x3200  }
0x3e: {  	[sflag:s23] =	ssyncset.done $0x0  }
0x3f: {  	s31 =	sadd.s32 $0x6590, s29;
	[sflag:s23] =	ssyncadd.s32 $0xFFFFCE00  }
0x40: {  	[tilespmem:s18], [sflag:$0x3] =	stream.indirect.gather.add.f32 [spmem:s2], $0x40, s31, s14, $0xb8;
	[tilespmem:$0x1D010] =	vst v63  }
0x41: {  	_ =	swait.ge [sflag:s24], $0x3200  }
0x42: {  	[sflag:s24] =	ssyncset.done $0x0  }
0x43: {  	s31 =	sadd.s32 $0x6658, s29;
	[sflag:s24] =	ssyncadd.s32 $0xFFFFCE00  }
0x44: {  	[tilespmem:s20], [sflag:$0x4] =	stream.indirect.gather.add.f32 [spmem:s2], $0x40, s31, s14, $0xb8;
	[tilespmem:$0x1D010] =	vst v63  }
0x45: {  	_ =	swait.ge [sflag:s21], $0x3200  }
0x46: {  	[sflag:s21] =	ssyncset.done $0x0  }
0x47: {  	[sflag:s21] =	ssyncadd.s32 $0xFFFFCE00  }
0x48: {  	[hbm4b:s26+s3] =	stream.linear.scatter [tilespmem:s15], [sflag:$0x1], $0x3200, $0x38;
	[tilespmem:$0x1D010] =	vst v63  }
0x49: {  	_ =	swait.ge [sflag:s22], $0x3200  }
0x4a: {  	[sflag:s22] =	ssyncset.done $0x0  }
0x4b: {  	s31 =	sadd.s32 $0x640, s26;
	[sflag:s22] =	ssyncadd.s32 $0xFFFFCE00  }
0x4c: {  	[hbm4b:s31+s3] =	stream.linear.scatter [tilespmem:s16], [sflag:$0x2], $0x3200, $0x38;
	[tilespmem:$0x1D010] =	vst v63  }
0x4d: {  	_ =	swait.ge [sflag:s23], $0x3200  }
0x4e: {  	[sflag:s23] =	ssyncset.done $0x0  }
0x4f: {  	s31 =	sadd.s32 $0xC80, s26;
	[sflag:s23] =	ssyncadd.s32 $0xFFFFCE00  }
0x50: {  	[hbm4b:s31+s3] =	stream.linear.scatter [tilespmem:s18], [sflag:$0x3], $0x3200, $0x38;
	[tilespmem:$0x1D010] =	vst v63  }
0x51: {  	_ =	swait.ge [sflag:s24], $0x3200  }
0x52: {  	p1 =	seq.s32 s28, $0x18380;
	[sflag:s24] =	ssyncset.done $0x0  }
.Ltmp2:
0x53: {  	s31 =	sadd.s32 $0x12C0, s26;
	[sflag:s24] =	ssyncadd.s32 $0xFFFFCE00;
	(pc) =	sbr.rel @p1 .LBB2_4-.Ltmp2, $4  }
0x54: {  	[hbm4b:s31+s3] =	stream.linear.scatter [tilespmem:s20], [sflag:$0x4], $0x3200, $0x38;
	[tilespmem:$0x1D010] =	vst v63  }
0x55: {  	_ =	swait.ge [sflag:s21], $0x3200  }
0x56: {  	[sflag:s21] =	ssyncset.done $0x0  }
0x57: {  	[sflag:s21] =	ssyncadd.s32 $0xFFFFCE00  }
0x58: {  	s30 =	sadd.s32 $0x320, s29  }
0x59: {  	[tilespmem:s15], [sflag:$0x1] =	stream.indirect.gather [spmem:s1], $0x40, s30, s14, $0xb8;
	[tilespmem:$0x1D010] =	vst v63  }
0x5a: {  	_ =	swait.ge [sflag:s22], $0x3200  }
0x5b: {  	[sflag:s22] =	ssyncset.done $0x0  }
0x5c: {  	s31 =	sadd.s32 $0x3E8, s29;
	[sflag:s22] =	ssyncadd.s32 $0xFFFFCE00  }
0x5d: {  	[tilespmem:s16], [sflag:$0x2] =	stream.indirect.gather [spmem:s1], $0x40, s31, s14, $0xb8;
	[tilespmem:$0x1D010] =	vst v63  }
0x5e: {  	_ =	swait.ge [sflag:s23], $0x3200  }
0x5f: {  	[sflag:s23] =	ssyncset.done $0x0  }
0x60: {  	s31 =	sadd.s32 $0x4B0, s29;
	[sflag:s23] =	ssyncadd.s32 $0xFFFFCE00  }
0x61: {  	[tilespmem:s18], [sflag:$0x3] =	stream.indirect.gather [spmem:s1], $0x40, s31, s14, $0xb8;
	[tilespmem:$0x1D010] =	vst v63  }
.Ltmp3:
0x62: {  	_ = 	snop;
	(pc) =	sbr.rel .LBB2_2-.Ltmp3, $4  }
0x63: {  	_ =	swait.ge [sflag:s24], $0x3200  }
0x64: {  	s28 =	sadd.s32 $0xC80, s28;
	[sflag:s24] =	ssyncset.done $0x0  }
0x65: {  	s26 =	sadd.s32 $0x1900, s26;
	s31 =	sadd.s32 $0x578, s29;
	[sflag:s24] =	ssyncadd.s32 $0xFFFFCE00  }
0x66: {  	[tilespmem:s20], [sflag:$0x4] =	stream.indirect.gather [spmem:s1], $0x40, s31, s14, $0xb8;
	[tilespmem:$0x1D010] =	vst v63  }
.LBB2_5:
0x67: {  	_ =	sfence.sel $0x180000  }
0x68: {  	[bflag:$0x0] =	sbarrier.arrive $0xFFFF  }
0x69: {  	_ =	strace $0x90000047  }
0x6a: {  	s0 =	sadd.s32 @!p0 $0x100000, s0;
	[bflag:$0x2] =	sbarrier.arrive $0xFFFF  }
0x6b: {  	[sflag:s0] =	ssyncadd.tile.s32 @!p0 $0x1;
	_ =	shalt  }
.Lfunc_end2:
_tile_overlayer_lowered:
.L_overlay_start_2:
0x6c: {  	(tag) =	ssettag $0x2  }
0x6d: {  	s0 =	rddreg [dreg:$0x0];
	s2 =	stileid.u32  }
0x6e: {  	s1 =	rddreg [dreg:$0x1];
	p0 =	sne.s32 s2, $0x0  }
0x6f: {  	s3 =	rddreg [dreg:$0x2];
	[bflag:$0x3] =	sbarrier.arrive $0xFFFF;
	s2 =	simm.s32 @!p0 $0x1C05  }
0x70: {  	[timem:s3], [sflag:s2] =	dma.local @!p0 [hbm:s0], s1  }
0x71: {  	s0 =	simm.s32 @!p0 $0x5  }
0x72: {  	_ =	swait.ge @!p0 [sflag:s0], s1  }
0x73: {  	s1 =	ssub.s32 @!p0 $0x0, s1;
	[sflag:s0] =	ssyncset.done @!p0 $0x0  }
0x74: {  	[sflag:s0] =	ssyncadd.s32 @!p0 s1  }
0x75: {  	[bflag:$0x3] =	sbarrier.arrive $0xFFFF  }
0x76: {  	_ =	shalt  }

// kernel: sparse-core-data-format-call.cloned.1.call-start
scs
called_computation_lowered:
.L_overlay_start_0:
0x0: {  	s2 =	sld [smem:$0x3FD9]  }
0x1: {  	s3 =	sld [smem:$0x3FFE];
	_ =	sdelay $0x1  }
0x2: {  	s1 =	srdreg.scid  }
0x3: {  	s0 =	sand.u32 $0x1, s1  }
0x4: {  	s18 =	sshll.u32 s0, $0xA;
	s2 =	sadd.s32 s3, s2  }
0x5: {  	s2 =	sadd.s32 s2, s18  }
0x6: {  	[smem:$0x3FC4] =	sst s2  }
0x7: {  	_ = 	snop  }
0x8: {  	s2 =	sld [smem:$0x3FD0];
	(tm) =	ssettm $0x1  }
0x9: {  	s19 =	sld [smem:$0x3FFB];
	_ =	sdelay $0x3  }
0xa: {  	_ =	strace s19  }
0xb: {  	s3 =	sld [smem:$0x3FFC];
	_ =	sdelay $0x3  }
0xc: {  	_ =	strace s3  }
0xd: {  	s3 =	sld [smem:$0x3FFD];
	_ =	sdelay $0x3  }
0xe: {  	_ =	strace s3  }
0xf: {  	_ =	strace $0x8FFFFFFF  }
0x10: {  	s20 =	sld [smem:$0x3FDB];
	_ =	sdelay $0x1  }
0x11: {  	s4 =	simm.s32 $_scs_section_size  }
0x12: {  	s5 =	simm.s32 $_size__tile_overlayer_lowered;
	s6 =	simm.s32 $_tile_overlayer_lowered  }
0x13: {  	s23 =	simm.s32 $0x1BFF;
	s22 =	sshll.u32 s6, $0x1;
	s3 =	sadd.s32 s4, s20  }
0x14: {  	s7 =	simm.s32 $0x0;
	s21 =	sshll.u32 s5, $0x1;
	s5 =	sadd.s32 s22, s3  }
0x15: {  	[timem:s7], [sflag:s23] =	dma.local [hbm:s5], s21  }
0x16: {  	_ =	swait.ge [sflag:s23], s21  }
0x17: {  	s4 =	ssub.s32 $0x0, s21;
	[sflag:s23] =	ssyncset.done $0x0  }
0x18: {  	[sflag:s23] =	ssyncadd.s32 s4;
	_ =	sdelay $0x1  }
0x19: {  	s24 =	simm.s32 $0x1B8B  }
0x1a: {  	_ =	swait.ge [sflag:s24], $0x1  }
0x1b: {  	[sflag:s24] =	ssyncset.done $0x0  }
0x1c: {  	s26 =	simm.s32 $0x1B8E;
	s25 =	sld [smem:$0x3FFE];
	[sflag:s24] =	ssyncadd.s32 $0xFFFFFFFF  }
0x1d: {  	s27 =	simm.s32 $execute0_lowered;
	[smem:$0x3FD2] =	sst s26  }
0x1e: {  	s5 =	sshll.u32 s27, $0x1;
	_ =	strace $0x80000049;
	[dreg:$0x1] =	wrdreg $0xFFFFFFFF  }
0x1f: {  	s28 =	simm.s32 $_size_execute0_lowered;
	s3 =	sadd.s32 s3, s5;
	[dreg:$0x0] =	wrdreg $0x0  }
0x20: {  	s5 =	sshll.u32 s28, $0x1;
	[dreg:$0x2] =	wrdreg s3  }
0x21: {  	[dreg:$0x3] =	wrdreg s5  }
0x22: {  	[dreg:$0x4] =	wrdreg $0xC0  }
0x23: {  	_ =	task [dreg:s7], $0x5FFFF  }
0x24: {  	[dreg:$0x1] =	wrdreg $0xFFFFFFFF  }
0x25: {  	[dreg:$0x0] =	wrdreg $0x60  }
0x26: {  	[dreg:$0x2] =	wrdreg s25  }
0x27: {  	[dreg:$0x3] =	wrdreg s2  }
0x28: {  	[dreg:$0x4] =	wrdreg $0x9  }
0x29: {  	_ =	task.clear_ibuf [dreg:s7], $0x5FFFF;
	_ =	strace $0x90000049  }
0x2a: {  	s29 =	simm.s32 $0x9;
	_ =	strace $0x8000004B  }
0x2b: {  	_ =	swait.ge [sflag:s29], $0x1  }
0x2c: {  	[sflag:s29] =	ssyncadd.s32 $0xFFFFFFFF  }
0x2d: {  	_ =	strace $0x9000004B  }
0x2e: {  	_ =	sfence  }
0x2f: {  	s30 =	sld [smem:$0x0];
	_ =	sdelay $0x2  }
0x30: {  	s31 =	sshll.u32 s1, $0xD;
	s1 =	sshrl.u32 s1, $0x2  }
0x31: {  	s3 =	sand.u32 $0x4000, s31;
	s1 =	sadd.s32 s1, s30  }
0x32: {  	s0 =	sor.u32 s3, s0;
	s1 =	sshll.u32 s1, $0x11  }
0x33: {  	s0 =	sor.u32 s1, s0  }
0x34: {  	s0 =	sadd.s32 $0x8F2B, s0  }
0x35: {  	[sflag:s0] =	ssyncadd.remote.s32 $0x1  }
0x36: {  	_ =	sfence.sel $0xFFFF  }
0x37: {  	[dreg:$0x0] =	wrdreg $0xFFFFFFFF;
	(pc) =	sbr.abs _section_cstart, $3  }
0x38: {  	[dreg:$0x1] =	wrdreg $0xFFFFFFFF  }
0x39: {  	_ =	task.clear_ibuf [dreg:s7], $0x2FFFF;
	_ =	strace $0x9FFFFFFF  }
0x3a: {  	(tm) =	ssettm $0x7FFFFFFF  }
0x3b: {  	_ =	shalt  }
tec
execute0_lowered:
.L_overlay_start_1:
0x0: {  	(tag) =	ssettag $0x1  }
0x1: {  	s0 =	srdreg.scid  }
0x2: {  	s1 =	sshll.u32 s0, $0x4  }
0x3: {  	s0 =	stileid.u32;
	s1 =	sand.u32 $0x10, s1  }
0x4: {  	s1 =	sor.u32 s0, s1  }
0x5: {  	s6 =	rddreg [dreg:$0x0];
	s4 =	simm.s32 $0x1;
	s2 =	sshll.u32 s1, $0x7  }
0x6: {  	s7 =	simm.s32 $0x2;
	s12 =	simm.s32 $0x0;
	s1 =	ssub.s32 $0x1000, s2  }
0x7: {  	s8 =	simm.s32 $0x8000;
	s13 =	simm.s32 $0x0;
	s3 =	sand.u32 $0xF80, s1  }
0x8: {  	s9 =	simm.s32 $0x0;
	s5 =	sshrl.u32 s1, $0xC;
	p0 =	sne.s32 s3, $0x0  }
.Ltmp0:
0x9: {  	s1 =	rddreg [dreg:$0x2];
	s4 =	simm.s32 @!p0 $0x0;
	(pc) =	sbr.rel .LBB1_1-.Ltmp0, $4  }
0xa: {  	s11 =	simm.s32 $0x0;
	s3 =	rddreg [dreg:$0x1];
	s5 =	sadd.s32 s4, s5  }
0xb: {  	_ =	strace $0x8000004A;
	s4 =	simm.s32 $0x1;
	s5 =	smul.u32 $0xC8, s5  }
0xc: {  	s6 =	sadd.s32 $0xE00, s6;
	s10 =	smov.u32 s2;
	[sflag:s4] =	ssyncpa.u1 $0x0  }
0xd: {  	p0 =	por $0x0, $0x0;
	[sflag:s7] =	ssyncpa.u1 $0x0;
	s7 =	sor.u32 $0x1, s5  }
.LBB1_4:
0xe: {  	s16 =	sshll.u32 s13, $0x3;
	s17 =	sand.u32 $0x78, s13  }
0xf: {  	s30 =	sand.u32 $0x7E00, s13;
	s12 =	sshll.u32 s12, $0xF;
	s16 =	sand.u32 $0xC00, s16  }
0x10: {  	[tilespmem:s15+$0x810 ss:$0x81] =	vst.msk $0xffff, v2;
	s31 =	sand.u32 $0x7, s13;
	s16 =	sor.u32 s17, s16;
	s17 =	sadd.s32 s3, s30  }
0x11: {  	[tilespmem:s15+$0x1020 ss:$0x81] =	vst.msk $0xffff, v0;
	s13 =	sshll.u32 s31, $0x12;
	s12 =	sadd.s32 s12, s17;
	s16 =	sshrl.u32 s16, $0x3  }
0x12: {  	[tilespmem:s15+$0x0 ss:$0x81] =	vst.msk $0xffff, v1;
	s13 =	sor.u32 $0x400, s13;
	s12 =	sadd.s32 s16, s12  }
0x13: {  	[hbm4b:s12+s13] =	stream.strided.scatter [tilespmem:s14], [sflag:$0x2], $0x2000, s8, s13, $0x20;
	[tilespmem:$0x8080] =	vst v63  }
.LBB1_5:
0x14: {  	s14 =	sadd.s32 $0x1, s9  }
0x15: {  	s12 =	sadd.s32 $0x1000, s10;
	s16 =	smov.u32 s10;
	p2 =	sgt.s32 s14, $0xC7  }
0x16: {  	s16 =	smov.u32 @p2 s12  }
0x17: {  	s14 =	simm.s32 @p2 $0x0;
	p2 =	sgt.s32 s16, $0xFFF  }
0x18: {  	s16 =	smov.u32 @p2 s2;
	p2 =	sne.s32 s11, s7  }
.Ltmp1:
0x19: {  	p1 =	slt.u32 s11, $0x2;
	(pc) =	sbr.rel @!p2 .LBB1_6-.Ltmp1, $4  }
0x1a: {  	s15 =	simm.s32 @!p1 $0x2  }
0x1b: {  	s13 =	smov.u32 s10;
	p0 =	por !p0, !p0;
	_ =	swait.ge @!p1 [sflag:s15], $0x2000  }
0x1c: {  	s12 =	smov.u32 s9;
	[sflag:s15] =	ssyncset.done @!p1 $0x0;
	s9 =	smov.u32 s14  }
0x1d: {  	s11 =	sadd.s32 $0x1, s11;
	[sflag:s15] =	ssyncadd.s32 @!p1 $0xFFFFE000;
	s10 =	smov.u32 s16  }
.LBB1_1:
0x1e: {  	p1 =	sge.u32 s11, s5  }
0x1f: {  	s14 =	sand.u32 @!p1 $0x1FFFFFF, s9  }
0x20: {  	s15 =	smulhi.u32 @!p1 $0x147AE15, s14;
	_ =	sdelay $0x1  }
0x21: {  	s15 =	smul.u32 @!p1 $0xC8, s15  }
0x22: {  	s16 =	sxor.u32 @!p1 $0xFFFFFFFF, s11;
	s17 =	smul.u32 @!p1 $0xC80, s10  }
0x23: {  	s31 =	sadd.s32 $0xFFFFFFFF, s11;
	s16 =	sshll.u32 @!p1 s16, $0xD;
	s14 =	ssub.s32 @!p1 s14, s15  }
0x24: {  	s15 =	sand.u32 @!p1 $0x2000, s16;
	s16 =	sadd.s32 @!p1 s6, s17;
	s14 =	sshll.u32 @!p1 s14, $0x4  }
0x25: {  	s17 =	simm.s32 @!p1 $0x6400;
	s14 =	sadd.s32 @!p1 s14, s16;
	s16 =	simm.s32 @!p1 $0x40  }
0x26: {  	[tilespmem:s15], [sflag:$0x1] =	stream.strided.gather @!p1 [hbm4b:s14+s16], $0x2000, s17, s16, $0x38;
	[tilespmem:$0x8080] =	vst v63  }
0x27: {  	p1 =	sge.u32 s31, s5  }
.Ltmp2:
0x28: {  	_ = 	snop;
	(pc) =	sbr.rel @p1 .LBB1_5-.Ltmp2, $1  }
0x29: {  	_ =	sdelay $0x3  }
0x2a: {  	s14 =	simm.s32 $0x1  }
0x2b: {  	_ =	swait.ge [sflag:s4], $0x2000;
	s14 =	simm.s32 @!p0 $0x0  }
0x2c: {  	[sflag:s4] =	ssyncset.done $0x0;
	s15 =	sshll.u32 s14, $0xD  }
0x2d: {  	[sflag:s4] =	ssyncadd.s32 $0xFFFFE000;
	s18 =	sor.u32 $0x20, s15  }
0x2e: {  	s14 =	smul.u32 $0x8100, s14;
	v3 =	vld [tilespmem:s18+$0x10]  }
0x2f: {  	s30 =	sand.u32 $0x1, s11;
	v2 =	vld [tilespmem:s18+$0xFFFFFFF0]  }
0x30: {  	s15 =	smul.u32 $0x8100, s30;
	s14 =	sshrl.u32 s14, $0x2;
	v0 =	vld [tilespmem:s18+$0x0]  }
0x31: {  	v1 =	vld [tilespmem:s18+$0xFFFFFFE0];
	s16 =	sor.u32 $0x4000, s14  }
0x32: {  	s31 =	sshrl.u32 s15, $0x2;
	s15 =	sadd.s32 $0x0, s16  }
0x33: {  	s17 =	simm.s32 $0x4;
	s18 =	sadd.s32 $0x40, s18;
	s14 =	sor.u32 $0x4000, s31;
	[tilespmem:s15+$0x1830 ss:$0x81] =	vst.msk $0xffff, v3  }
.LBB1_3:
0x34: {  	v3 =	vld [tilespmem:s18+$0x10];
	p1 =	sne.s32 s17, $0x1FC;
	[tilespmem:s15+$0x810 ss:$0x81] =	vst.msk $0xffff, v2;
	s19 =	smov.u32 s17;
	s17 =	sadd.s32 $0x4, s17  }
.Ltmp3:
0x35: {  	v2 =	vld [tilespmem:s18+$0xFFFFFFF0];
	[tilespmem:s15+$0x1020 ss:$0x81] =	vst.msk $0xffff, v0;
	(pc) =	sbr.rel @p1 .LBB1_3-.Ltmp3, $4  }
0x36: {  	v0 =	vld [tilespmem:s18+$0x0];
	[tilespmem:s15+$0x0 ss:$0x81] =	vst.msk $0xffff, v1  }
0x37: {  	s15 =	sshra.s32 s19, $0x2;
	v1 =	vld [tilespmem:s18+$0xFFFFFFE0]  }
0x38: {  	s15 =	sadd.s32 s15, s16  }
0x39: {  	s18 =	sadd.s32 $0x40, s18;
	[tilespmem:s15+$0x1830 ss:$0x81] =	vst.msk $0xffff, v3  }
.Ltmp4:
0x3a: {  	_ = 	snop;
	(pc) =	sbr.rel .LBB1_4-.Ltmp4, $1  }
0x3b: {  	_ =	sdelay $0x3  }
.LBB1_6:
0x3c: {  	_ =	sfence.sel $0x180000  }
0x3d: {  	s2 =	simm.s32 $0x1;
	[bflag:$0x0] =	sbarrier.arrive $0xFFFF  }
0x3e: {  	s31 =	simm.s32 $0x2;
	[sflag:s2] =	ssyncpa.u1 $0x1  }
0x3f: {  	[sflag:s31] =	ssyncpa.u1 $0x1  }
0x40: {  	p0 =	sne.s32 s0, $0x0;
	_ =	strace $0x9000004A  }
0x41: {  	s0 =	sadd.s32 @!p0 $0x100000, s1;
	[bflag:$0x2] =	sbarrier.arrive $0xFFFF  }
0x42: {  	[sflag:s0] =	ssyncadd.tile.s32 @!p0 $0x1;
	_ =	shalt  }
.Lfunc_end1:
_tile_overlayer_lowered:
.L_overlay_start_2:
0x43: {  	(tag) =	ssettag $0x2  }
0x44: {  	s0 =	rddreg [dreg:$0x0];
	s2 =	stileid.u32  }
0x45: {  	s1 =	rddreg [dreg:$0x1];
	p0 =	sne.s32 s2, $0x0  }
0x46: {  	s3 =	rddreg [dreg:$0x2];
	[bflag:$0x3] =	sbarrier.arrive $0xFFFF;
	s2 =	simm.s32 @!p0 $0x1C01  }
0x47: {  	[timem:s3], [sflag:s2] =	dma.local @!p0 [hbm:s0], s1  }
0x48: {  	s0 =	simm.s32 @!p0 $0x1  }
0x49: {  	_ =	swait.ge @!p0 [sflag:s0], s1  }
0x4a: {  	s1 =	ssub.s32 @!p0 $0x0, s1;
	[sflag:s0] =	ssyncset.done @!p0 $0x0  }
0x4b: {  	[sflag:s0] =	ssyncadd.s32 @!p0 s1  }
0x4c: {  	[bflag:$0x3] =	sbarrier.arrive $0xFFFF  }
0x4d: {  	_ =	shalt  }

</sc_bundles>
